<compile_context>
chip_gen: v7x
topology: tpu7x:2x2x1
jax: 0.10.2.dev20260603
libtpu: 0.0.44.dev20260713+nightly
codegen_flags: <defaults>
</compile_context>

<pallas_src>
import dataclasses
import functools

import jax
import jax.numpy as jnp
from jax import lax
from jax.experimental import pallas as pl
from jax.experimental.pallas import tpu as pltpu
from jax.experimental.pallas import tpu_sc as plsc

N = 10000
E = 160000
D = 256
LANES = 16
NC = 2
NS = 16
NW = NC * NS
NPT = 320
NPAD = NW * NPT
CE = 2000
GC = 64
DC = D // LANES

_mesh = plsc.VectorSubcoreMesh(core_axis_name="c", subcore_axis_name="s")

_sc_params = pltpu.CompilerParams()
if "needs_layout_passes" in pltpu.CompilerParams.__dataclass_fields__:
    _sc_params = dataclasses.replace(_sc_params, needs_layout_passes=False)


def _wid():
    return lax.axis_index("c") * NS + lax.axis_index("s")


def _prep_body(src_hbm, dst_hbm, srcb_hbm, dstb_hbm, cntb_hbm, deg_hbm,
               dstc, srcc, sbuf, dbuf, deg2, stg):
    wid = _wid()
    iota = lax.iota(jnp.int32, LANES)
    zi = jnp.zeros((LANES,), jnp.int32)
    ones = jnp.ones((LANES,), jnp.int32)

    @pl.loop(0, NPT)
    def _(r):
        deg2[pl.ds(r * LANES, LANES)] = zi

    @pl.loop(0, sbuf.shape[0] // LANES)
    def _(r):
        sbuf[pl.ds(r * LANES, LANES)] = zi
        dbuf[pl.ds(r * LANES, LANES)] = zi

    def chunk(ci, carry):
        pos0, off0 = carry
        pltpu.sync_copy(dst_hbm.at[pl.ds(ci * CE, CE)], dstc)
        pltpu.sync_copy(src_hbm.at[pl.ds(ci * CE, CE)], srcc)

        def group(g, pos):
            d16 = dstc[pl.ds(g * LANES, LANES)]
            s16 = srcc[pl.ds(g * LANES, LANES)]
            t16 = d16 // NPT
            m = t16 == wid
            dl16 = d16 - wid * NPT
            plsc.store_compressed(sbuf.at[pl.ds(pos, LANES)], s16, mask=m)
            plsc.store_compressed(dbuf.at[pl.ds(pos, LANES)], dl16, mask=m)
            plsc.addupdate_scatter(deg2, [dl16 * LANES + iota], ones, mask=m)
            return pos + plsc.all_reduce_population_count(m)[0]

        pos = lax.fori_loop(0, CE // LANES, group, pos0)

        nflush = pos // GC

        @pl.loop(0, nflush)
        def _(f):
            o = pl.multiple_of(wid * E + off0 + f * GC, GC)
            pltpu.sync_copy(sbuf.at[pl.ds(f * GC, GC)], srcb_hbm.at[pl.ds(o, GC)])
            pltpu.sync_copy(dbuf.at[pl.ds(f * GC, GC)], dstb_hbm.at[pl.ds(o, GC)])

        base = nflush * GC
        for q in range(GC // LANES):
            sbuf[pl.ds(q * LANES, LANES)] = sbuf[pl.ds(base + q * LANES, LANES)]
            dbuf[pl.ds(q * LANES, LANES)] = dbuf[pl.ds(base + q * LANES, LANES)]
        return pos - base, off0 + base

    pos, off = lax.fori_loop(0, E // CE, chunk, (jnp.int32(0), jnp.int32(0)))

    nfin = (pos + GC - 1) // GC

    @pl.loop(0, nfin)
    def _(f):
        o = pl.multiple_of(wid * E + off + f * GC, GC)
        pltpu.sync_copy(sbuf.at[pl.ds(f * GC, GC)], srcb_hbm.at[pl.ds(o, GC)])
        pltpu.sync_copy(dbuf.at[pl.ds(f * GC, GC)], dstb_hbm.at[pl.ds(o, GC)])

    cnt = off + pos
    stg[pl.ds(0, LANES)] = jnp.full((LANES,), cnt, jnp.int32)
    pltpu.sync_copy(stg, cntb_hbm.at[pl.ds(pl.multiple_of(wid * LANES, LANES), LANES)])
    pltpu.sync_copy(deg2, deg_hbm.at[pl.ds(pl.multiple_of(wid * NPT * LANES, LANES), NPT * LANES)])


@jax.jit
def _prep(src, dst):
    k = pl.kernel(
        _prep_body,
        out_type=(
            jax.ShapeDtypeStruct((NW * E,), jnp.int32),
            jax.ShapeDtypeStruct((NW * E,), jnp.int32),
            jax.ShapeDtypeStruct((NW * LANES,), jnp.int32),
            jax.ShapeDtypeStruct((NW * NPT * LANES,), jnp.int32),
        ),
        mesh=_mesh,
        scratch_types=[
            pltpu.VMEM((CE,), jnp.int32),
            pltpu.VMEM((CE,), jnp.int32),
            pltpu.VMEM((CE + 2 * GC,), jnp.int32),
            pltpu.VMEM((CE + 2 * GC,), jnp.int32),
            pltpu.VMEM((NPT * LANES,), jnp.int32),
            pltpu.VMEM((LANES,), jnp.int32),
        ],
        compiler_params=_sc_params,
    )
    return k(src, dst)


def _scale_body(x_ref, deg_ref, xs_ref, dinv_ref):
    deg = jnp.sum(deg_ref[...], axis=1, keepdims=True).astype(jnp.float32)
    dinv = lax.rsqrt(deg + 1.0)
    dinv_ref[...] = dinv
    xs_ref[...] = x_ref[...] * dinv


@jax.jit
def _scale(x_pad, deg16):
    bm = 1024
    return pl.pallas_call(
        _scale_body,
        grid=(NPAD // bm,),
        in_specs=[
            pl.BlockSpec((bm, D), lambda i: (i, 0)),
            pl.BlockSpec((bm, LANES), lambda i: (i, 0)),
        ],
        out_specs=[
            pl.BlockSpec((bm, D), lambda i: (i, 0)),
            pl.BlockSpec((bm, 1), lambda i: (i, 0)),
        ],
        out_shape=[
            jax.ShapeDtypeStruct((NPAD, D), jnp.float32),
            jax.ShapeDtypeStruct((NPAD, 1), jnp.float32),
        ],
    )(x_pad, deg16)


def _mm_body(x_ref, w_ref, o_ref):
    o_ref[...] = jnp.dot(x_ref[...], w_ref[...],
                         preferred_element_type=jnp.float32)


@jax.jit
def _mm(x, w):
    bm = 1024
    return pl.pallas_call(
        _mm_body,
        grid=(NPAD // bm,),
        in_specs=[
            pl.BlockSpec((bm, D), lambda i: (i, 0)),
            pl.BlockSpec((D, D), lambda i: (0, 0)),
        ],
        out_specs=pl.BlockSpec((bm, D), lambda i: (i, 0)),
        out_shape=jax.ShapeDtypeStruct((NPAD, D), jnp.float32),
    )(x, w)


def _agg_body(prescale, h_hbm, srcb_hbm, dstb_hbm, cntb_hbm, dinv_hbm, b_hbm,
              o_hbm, acc, rbuf, ibuf, dlc, dinvb, bb, stg):
    wid = _wid()
    iota = lax.iota(jnp.int32, LANES)
    zf = jnp.zeros((LANES,), jnp.float32)

    pltpu.sync_copy(cntb_hbm.at[pl.ds(pl.multiple_of(wid * LANES, LANES), LANES)], stg)
    cnt = stg[pl.ds(0, LANES)][0]
    pltpu.sync_copy(dinv_hbm.at[pl.ds(pl.multiple_of(wid * NPT, NPT), NPT)], dinvb)
    pltpu.sync_copy(b_hbm, bb)

    @pl.loop(0, NPT)
    def _(r):
        for c in range(DC):
            acc[r, pl.ds(c * LANES, LANES)] = zf

    nch = (cnt + GC - 1) // GC

    @pl.loop(0, nch)
    def _(i):
        o = pl.multiple_of(wid * E + i * GC, GC)
        pltpu.sync_copy(srcb_hbm.at[pl.ds(o, GC)], ibuf)
        pltpu.sync_copy(dstb_hbm.at[pl.ds(o, GC)], dlc)
        pltpu.sync_copy(h_hbm.at[ibuf], rbuf)

        @pl.loop(0, GC // LANES)
        def _(q):
            dl16 = dlc[pl.ds(q * LANES, LANES)]
            base = i * GC + q * LANES
            for k in range(LANES):
                dl = dl16[k]
                row = jnp.full((LANES,), dl, jnp.int32)
                m = jnp.full((LANES,), base + k < cnt)
                for c in range(DC):
                    plsc.addupdate_scatter(
                        acc, [row, iota + c * LANES],
                        rbuf[q * LANES + k, pl.ds(c * LANES, LANES)], mask=m)

    @pl.loop(0, NPT // GC)
    def _(blk):
        pltpu.sync_copy(
            h_hbm.at[pl.ds(pl.multiple_of(wid * NPT + blk * GC, GC), GC)], rbuf)

        @pl.loop(0, GC // LANES)
        def _(rg):
            dv16 = dinvb[pl.ds(blk * GC + rg * LANES, LANES)]
            for k in range(LANES):
                s = dv16[k]
                f1 = s * s if prescale else s
                r = blk * GC + rg * LANES + k
                for c in range(DC):
                    v = acc[r, pl.ds(c * LANES, LANES)]
                    hv = rbuf[rg * LANES + k, pl.ds(c * LANES, LANES)]
                    bv = bb[pl.ds(c * LANES, LANES)]
                    y = f1 * (v + hv) + (s * bv if prescale else bv)
                    acc[r, pl.ds(c * LANES, LANES)] = y

    pltpu.sync_copy(acc, o_hbm.at[pl.ds(wid * NPT, NPT)])


def _make_agg(prescale):
    return pl.kernel(
        functools.partial(_agg_body, prescale),
        out_type=jax.ShapeDtypeStruct((NPAD, D), jnp.float32),
        mesh=_mesh,
        scratch_types=[
            pltpu.VMEM((NPT, D), jnp.float32),
            pltpu.VMEM((GC, D), jnp.float32),
            pltpu.VMEM((GC,), jnp.int32),
            pltpu.VMEM((GC,), jnp.int32),
            pltpu.VMEM((NPT,), jnp.float32),
            pltpu.VMEM((D,), jnp.float32),
            pltpu.VMEM((LANES,), jnp.int32),
        ],
        compiler_params=_sc_params,
    )


_agg_mid = jax.jit(_make_agg(True))
_agg_last = jax.jit(_make_agg(False))


def kernel(x, edge_index, W0, b0, W1, b1, W2, b2, W3, b3):
    x_pad = jnp.pad(x, ((0, NPAD - N), (0, 0)))
    srcb, dstb, cntb, deg2 = _prep(edge_index[0], edge_index[1])
    deg16 = deg2.reshape(NPAD, LANES)
    xs, dinv_col = _scale(x_pad, deg16)
    dinv = dinv_col.reshape(NPAD)
    cur = xs
    for i, (W, b) in enumerate([(W0, b0), (W1, b1), (W2, b2), (W3, b3)]):
        h = _mm(cur, W)
        agg = _agg_mid if i < 3 else _agg_last
        cur = agg(h, srcb, dstb, cntb, dinv, b)
    return cur[:N]

# --- scband reference (transcript-rebuilt; emitter-appended) ---
"""Pipeline reference for scband-encoder-77403900609100 (READ-ONLY COPY).

The authoritative reference and input builder live on the scoring server;
editing this copy changes nothing except your own understanding.
"""

import jax, jax.numpy as jnp
import numpy as np

N = 10000
E = 160000
D = 256
L = 4

def setup_inputs(seed: int = 0) -> dict:
    key = jax.random.key(seed)
    x = jax.random.normal(jax.random.fold_in(key, 0), (N, D), dtype=jnp.float32)
    edge_index = jax.random.randint(jax.random.fold_in(key, 1), (2, E), 0, N, dtype=jnp.int32)
    inp = {"x": x, "edge_index": edge_index}
    for i in range(L):
        inp[f"W{i}"] = jax.random.normal(jax.random.fold_in(key, 10 + i), (D, D), dtype=jnp.float32) * (1.0 / np.sqrt(D))
        inp[f"b{i}"] = jnp.zeros((D,), dtype=jnp.float32)
    return inp

def _gcn_layer(x, src, dst, W, b):
    # GCNConv: add self-loops, symmetric normalization D^{-1/2} A D^{-1/2}, linear transform, scatter-add aggregate, bias
    n = x.shape[0]
    loop = jnp.arange(n, dtype=src.dtype)
    s = jnp.concatenate([src, loop])
    d = jnp.concatenate([dst, loop])
    ones = jnp.ones(s.shape[0], dtype=x.dtype)
    deg = jax.ops.segment_sum(ones, d, num_segments=n)
    dinv = jnp.where(deg > 0, 1.0 / jnp.sqrt(deg), 0.0)
    norm = dinv[s] * dinv[d]
    h = x @ W
    msg = h[s] * norm[:, None]
    out = jax.ops.segment_sum(msg, d, num_segments=n)
    return out + b

def reference(x, edge_index, W0, b0, W1, b1, W2, b2, W3, b3):
    src = edge_index[0]
    dst = edge_index[1]
    h = x
    for W, b in [(W0, b0), (W1, b1), (W2, b2), (W3, b3)]:
        h = _gcn_layer(h, src, dst, W, b)
    return h

if __name__ == "__main__":
    import jax
    _d = setup_inputs()
    print(jax.jit(kernel)(*tuple(_d.values())))

</pallas_src>

<mosaic_0001>
#map = affine_map<(d0, d1) -> (0)>
module attributes {stable_mosaic.version = 14 : i64} {
  func.func @_prep_body(%arg0: i32, %arg1: i32, %arg2: memref<160000xi32, #tpu.memory_space<hbm>>, %arg3: memref<160000xi32, #tpu.memory_space<hbm>>, %arg4: memref<5120000xi32, #tpu.memory_space<hbm>>, %arg5: memref<5120000xi32, #tpu.memory_space<hbm>>, %arg6: memref<512xi32, #tpu.memory_space<hbm>>, %arg7: memref<163840xi32, #tpu.memory_space<hbm>>, %arg8: memref<2000xi32, #tpu.memory_space<vmem>>, %arg9: memref<2000xi32, #tpu.memory_space<vmem>>, %arg10: memref<2128xi32, #tpu.memory_space<vmem>>, %arg11: memref<2128xi32, #tpu.memory_space<vmem>>, %arg12: memref<5120xi32, #tpu.memory_space<vmem>>, %arg13: memref<16xi32, #tpu.memory_space<vmem>>) attributes {dimension_semantics = [#tpu.dimension_semantics<core_parallel>, #tpu.dimension_semantics<subcore_parallel>], iteration_bounds = array<i64: 2, 16>, scalar_prefetch = 0 : i64, scratch_operands = 6 : i64, tpu.core_type = #tpu.core_type<sc_vector_subcore>, window_params = [{transform_indices = #map}, {transform_indices = #map}, {transform_indices = #map}, {transform_indices = #map}, {transform_indices = #map}, {transform_indices = #map}]} {
    %mul3A = arith.constant 16 : i32
    %mul3A_0 = arith.muli %arg0, %mul3A : i32
    %add3A = arith.addi %mul3A_0, %arg1 : i32
    %iota3A = tpu.iota {dimensions = array<i32: 0>} : vector<16xi32>
    %broadcast_in_dim3A = arith.constant 0 : i32
    %broadcast_in_dim3A_1 = vector.broadcast %broadcast_in_dim3A : i32 to vector<16xi32>
    %broadcast_in_dim3A_2 = arith.constant 1 : i32
    %broadcast_in_dim3A_3 = vector.broadcast %broadcast_in_dim3A_2 : i32 to vector<16xi32>
    %scan3A = arith.constant 0 : i32
    %scan3A_4 = arith.constant 320 : i32
    %scan3A_5 = arith.addi %scan3A, %scan3A_4 : i32
    %scan3A_6 = arith.constant 1 : i32
    scf.for %scan3A_69 = %scan3A to %scan3A_5 step %scan3A_6  : i32 {
      %mul3A_70 = arith.constant 1 : i32
      %mul3A_71 = arith.muli %scan3A_69, %mul3A_70 : i32
      %add3A_72 = arith.constant 0 : i32
      %add3A_73 = arith.addi %add3A_72, %mul3A_71 : i32
      %mul3A_74 = arith.constant 16 : i32
      %mul3A_75 = arith.muli %add3A_73, %mul3A_74 : i32
      %swap3A_76 = arith.index_cast %mul3A_75 : i32 to index
      %swap3A_77 = tpu.vector_load %arg12[%swap3A_76] {strides = array<i32>} : memref<5120xi32, #tpu.memory_space<vmem>>, vector<16xi32>,
      tpu.vector_store %arg12[%swap3A_76], %broadcast_in_dim3A_1 {strides = array<i32>} : memref<5120xi32, #tpu.memory_space<vmem>>, vector<16xi32>,
    }
    %scan3A_7 = arith.constant 320 : i32
    %scan3A_8 = arith.constant 0 : i32
    %scan3A_9 = arith.constant 133 : i32
    %scan3A_10 = arith.addi %scan3A_8, %scan3A_9 : i32
    %scan3A_11 = arith.constant 1 : i32
    scf.for %scan3A_69 = %scan3A_8 to %scan3A_10 step %scan3A_11  : i32 {
      %mul3A_70 = arith.constant 1 : i32
      %mul3A_71 = arith.muli %scan3A_69, %mul3A_70 : i32
      %add3A_72 = arith.constant 0 : i32
      %add3A_73 = arith.addi %add3A_72, %mul3A_71 : i32
      %mul3A_74 = arith.constant 16 : i32
      %mul3A_75 = arith.muli %add3A_73, %mul3A_74 : i32
      %swap3A_76 = arith.index_cast %mul3A_75 : i32 to index
      %swap3A_77 = tpu.vector_load %arg10[%swap3A_76] {strides = array<i32>} : memref<2128xi32, #tpu.memory_space<vmem>>, vector<16xi32>,
      tpu.vector_store %arg10[%swap3A_76], %broadcast_in_dim3A_1 {strides = array<i32>} : memref<2128xi32, #tpu.memory_space<vmem>>, vector<16xi32>,
      %mul3A_78 = arith.constant 16 : i32
      %mul3A_79 = arith.muli %add3A_73, %mul3A_78 : i32
      %swap3A_80 = arith.index_cast %mul3A_79 : i32 to index
      %swap3A_81 = tpu.vector_load %arg11[%swap3A_80] {strides = array<i32>} : memref<2128xi32, #tpu.memory_space<vmem>>, vector<16xi32>,
      tpu.vector_store %arg11[%swap3A_80], %broadcast_in_dim3A_1 {strides = array<i32>} : memref<2128xi32, #tpu.memory_space<vmem>>, vector<16xi32>,
    }
    %scan3A_12 = arith.constant 133 : i32
    %scan3A_13 = arith.constant 0 : i32
    %scan3A_14 = arith.constant 0 : i32
    %scan3A_15 = arith.constant 0 : i32
    %scan3A_16 = arith.constant 80 : i32
    %scan3A_17 = arith.addi %scan3A_15, %scan3A_16 : i32
    %scan3A_18 = arith.constant 1 : i32
    %scan3A_19:2 = scf.for %scan3A_69 = %scan3A_15 to %scan3A_17 step %scan3A_18 iter_args(%scan3A_70 = %scan3A_13, %scan3A_71 = %scan3A_14) -> (i32, i32)  : i32 {
      %mul3A_72 = arith.constant 2000 : i32
      %mul3A_73 = arith.muli %scan3A_69, %mul3A_72 : i32
      "tpu.region"() ({
        %run_scoped3A = tpu.sem_alloc : memref<!tpu.dma_semaphore, #tpu.memory_space<semaphore_mem>>
        %dma_start3A = tpu.memref_slice %arg3[%mul3A_73] : memref<160000xi32, #tpu.memory_space<hbm>> -> memref<2000xi32, #tpu.memory_space<hbm>>
        %dma_start3A_176 = tpu.memref_slice %arg3[%mul3A_73] : memref<160000xi32, #tpu.memory_space<hbm>> -> memref<2000xi32, #tpu.memory_space<hbm>>
        tpu.enqueue_dma source(%dma_start3A_176 : memref<2000xi32, #tpu.memory_space<hbm>>) target(%arg8 : memref<2000xi32, #tpu.memory_space<vmem>>) target_semaphore(%run_scoped3A : memref<!tpu.dma_semaphore, #tpu.memory_space<semaphore_mem>>)
        %dma_wait3A = tpu.memref_slice %arg3[%mul3A_73] : memref<160000xi32, #tpu.memory_space<hbm>> -> memref<2000xi32, #tpu.memory_space<hbm>>
        %dma_wait3A_177 = tpu.memref_slice %arg3[%mul3A_73] : memref<160000xi32, #tpu.memory_space<hbm>> -> memref<2000xi32, #tpu.memory_space<hbm>>
        tpu.wait_dma2 semaphore(%run_scoped3A : memref<!tpu.dma_semaphore, #tpu.memory_space<semaphore_mem>>) src(%dma_wait3A_177 : memref<2000xi32, #tpu.memory_space<hbm>>) dst(%arg8 : memref<2000xi32, #tpu.memory_space<vmem>>)
        tpu.yield
      }) : () -> ()
      %mul3A_74 = arith.constant 2000 : i32
      %mul3A_75 = arith.muli %scan3A_69, %mul3A_74 : i32
      "tpu.region"() ({
        %run_scoped3A = tpu.sem_alloc : memref<!tpu.dma_semaphore, #tpu.memory_space<semaphore_mem>>
        %dma_start3A = tpu.memref_slice %arg2[%mul3A_75] : memref<160000xi32, #tpu.memory_space<hbm>> -> memref<2000xi32, #tpu.memory_space<hbm>>
        %dma_start3A_176 = tpu.memref_slice %arg2[%mul3A_75] : memref<160000xi32, #tpu.memory_space<hbm>> -> memref<2000xi32, #tpu.memory_space<hbm>>
        tpu.enqueue_dma source(%dma_start3A_176 : memref<2000xi32, #tpu.memory_space<hbm>>) target(%arg9 : memref<2000xi32, #tpu.memory_space<vmem>>) target_semaphore(%run_scoped3A : memref<!tpu.dma_semaphore, #tpu.memory_space<semaphore_mem>>)
        %dma_wait3A = tpu.memref_slice %arg2[%mul3A_75] : memref<160000xi32, #tpu.memory_space<hbm>> -> memref<2000xi32, #tpu.memory_space<hbm>>
        %dma_wait3A_177 = tpu.memref_slice %arg2[%mul3A_75] : memref<160000xi32, #tpu.memory_space<hbm>> -> memref<2000xi32, #tpu.memory_space<hbm>>
        tpu.wait_dma2 semaphore(%run_scoped3A : memref<!tpu.dma_semaphore, #tpu.memory_space<semaphore_mem>>) src(%dma_wait3A_177 : memref<2000xi32, #tpu.memory_space<hbm>>) dst(%arg9 : memref<2000xi32, #tpu.memory_space<vmem>>)
        tpu.yield
      }) : () -> ()
      %scan3A_76 = arith.constant 0 : i32
      %scan3A_77 = arith.constant 125 : i32
      %scan3A_78 = arith.addi %scan3A_76, %scan3A_77 : i32
      %scan3A_79 = arith.constant 1 : i32
      %scan3A_80 = scf.for %scan3A_176 = %scan3A_76 to %scan3A_78 step %scan3A_79 iter_args(%scan3A_177 = %scan3A_70) -> (i32)  : i32 {
        %mul3A_178 = arith.constant 16 : i32
        %mul3A_179 = arith.muli %scan3A_176, %mul3A_178 : i32
        %get3A_180 = arith.index_cast %mul3A_179 : i32 to index
        %get3A_181 = tpu.vector_load %arg8[%get3A_180] {strides = array<i32>} : memref<2000xi32, #tpu.memory_space<vmem>>, vector<16xi32>,
        %mul3A_182 = arith.constant 16 : i32
        %mul3A_183 = arith.muli %scan3A_176, %mul3A_182 : i32
        %get3A_184 = arith.index_cast %mul3A_183 : i32 to index
        %get3A_185 = tpu.vector_load %arg9[%get3A_184] {strides = array<i32>} : memref<2000xi32, #tpu.memory_space<vmem>>, vector<16xi32>,
        %jit3A_186 = arith.constant 320 : i32
        %div3A_187 = vector.broadcast %jit3A_186 : i32 to vector<16xi32>
        %div3A_188 = arith.divsi %get3A_181, %div3A_187 : vector<16xi32>
        %sign3A_189 = arith.constant 0 : i32
        %sign3A_190 = vector.broadcast %sign3A_189 : i32 to vector<16xi32>
        %sign3A_191 = arith.cmpi sgt, %get3A_181, %sign3A_190 : vector<16xi32>
        %sign3A_192 = arith.extui %sign3A_191 : vector<16xi1> to vector<16xi32>
        %sign3A_193 = arith.constant 0 : i32
        %sign3A_194 = vector.broadcast %sign3A_193 : i32 to vector<16xi32>
        %sign3A_195 = arith.cmpi slt, %get3A_181, %sign3A_194 : vector<16xi32>
        %sign3A_196 = arith.extui %sign3A_195 : vector<16xi1> to vector<16xi32>
        %sign3A_197 = arith.subi %sign3A_192, %sign3A_196 : vector<16xi32>
        %sign3A_198 = arith.constant 0 : i32
        %sign3A_199 = arith.cmpi sgt, %jit3A_186, %sign3A_198 : i32
        %sign3A_200 = arith.extui %sign3A_199 : i1 to i32
        %sign3A_201 = arith.constant 0 : i32
        %sign3A_202 = arith.cmpi slt, %jit3A_186, %sign3A_201 : i32
        %sign3A_203 = arith.extui %sign3A_202 : i1 to i32
        %sign3A_204 = arith.subi %sign3A_200, %sign3A_203 : i32
        %ne3A_205 = vector.broadcast %sign3A_204 : i32 to vector<16xi32>
        %ne3A_206 = arith.cmpi ne, %sign3A_197, %ne3A_205 : vector<16xi32>
        %rem3A_207 = vector.broadcast %jit3A_186 : i32 to vector<16xi32>
        %rem3A_208 = arith.remsi %get3A_181, %rem3A_207 : vector<16xi32>
        %ne3A_209 = arith.constant 0 : i32
        %ne3A_210 = vector.broadcast %ne3A_209 : i32 to vector<16xi32>
        %ne3A_211 = arith.cmpi ne, %rem3A_208, %ne3A_210 : vector<16xi32>
        %and3A_212 = arith.andi %ne3A_206, %ne3A_211 : vector<16xi1>
        %sub3A_213 = arith.constant 1 : i32
        %sub3A_214 = vector.broadcast %sub3A_213 : i32 to vector<16xi32>
        %sub3A_215 = arith.subi %div3A_188, %sub3A_214 : vector<16xi32>
        %select_n3A_216 = arith.select %and3A_212, %sub3A_215, %div3A_188 : vector<16xi1>, vector<16xi32>
        %eq3A = vector.broadcast %add3A : i32 to vector<16xi32>
        %eq3A_217 = arith.cmpi eq, %select_n3A_216, %eq3A : vector<16xi32>
        %mul3A_218 = arith.constant 320 : i32
        %mul3A_219 = arith.muli %add3A, %mul3A_218 : i32
        %sub3A_220 = vector.broadcast %mul3A_219 : i32 to vector<16xi32>
        %sub3A_221 = arith.subi %get3A_181, %sub3A_220 : vector<16xi32>
        %swap3A_222 = arith.index_cast %scan3A_177 : i32 to index
        %swap3A_223 = tpu.vector_load %arg10[%swap3A_222] masked %eq3A_217 {strides = array<i32>} : memref<2128xi32, #tpu.memory_space<vmem>>, vector<16xi32>, vector<16xi1>
        tpu.vector_store %arg10[%swap3A_222], %get3A_185 masked %eq3A_217 {strides = array<i32>} : memref<2128xi32, #tpu.memory_space<vmem>>, vector<16xi32>, vector<16xi1>
        %swap3A_224 = arith.index_cast %scan3A_177 : i32 to index
        %swap3A_225 = tpu.vector_load %arg11[%swap3A_224] masked %eq3A_217 {strides = array<i32>} : memref<2128xi32, #tpu.memory_space<vmem>>, vector<16xi32>, vector<16xi1>
        tpu.vector_store %arg11[%swap3A_224], %sub3A_221 masked %eq3A_217 {strides = array<i32>} : memref<2128xi32, #tpu.memory_space<vmem>>, vector<16xi32>, vector<16xi1>
        %mul3A_226 = arith.constant 16 : i32
        %mul3A_227 = vector.broadcast %mul3A_226 : i32 to vector<16xi32>
        %mul3A_228 = arith.muli %sub3A_221, %mul3A_227 : vector<16xi32>
        %add3A_229 = arith.addi %mul3A_228, %iota3A : vector<16xi32>
        tpu.vector_store_idx %arg12[%add3A_229], %broadcast_in_dim3A_3 masked %eq3A_217 {add = true} : memref<5120xi32, #tpu.memory_space<vmem>>[vector<16xi32>], vector<16xi32>, vector<16xi1>
        %all_reduce_population_count3A = tpu.all_reduce %eq3A_217 {dim = 0 : i64, kind = #tpu.reduction_kind<sum>} : vector<16xi1> -> vector<16xi32>
        %slice3A = vector.extract_strided_slice %all_reduce_population_count3A {offsets = [0], sizes = [1], strides = [1]} : vector<16xi32> to vector<1xi32>
        %squeeze3A = vector.extract %slice3A[0] : i32 from vector<1xi32>
        %add3A_230 = arith.addi %scan3A_177, %squeeze3A : i32
        scf.yield %add3A_230 : i32
      }
      %scan3A_81 = arith.constant 125 : i32
      %jit3A_82 = arith.constant 64 : i32
      %div3A_83 = arith.divsi %scan3A_80, %jit3A_82 : i32
      %sign3A_84 = arith.constant 0 : i32
      %sign3A_85 = arith.cmpi sgt, %scan3A_80, %sign3A_84 : i32
      %sign3A_86 = arith.extui %sign3A_85 : i1 to i32
      %sign3A_87 = arith.constant 0 : i32
      %sign3A_88 = arith.cmpi slt, %scan3A_80, %sign3A_87 : i32
      %sign3A_89 = arith.extui %sign3A_88 : i1 to i32
      %sign3A_90 = arith.subi %sign3A_86, %sign3A_89 : i32
      %sign3A_91 = arith.constant 0 : i32
      %sign3A_92 = arith.cmpi sgt, %jit3A_82, %sign3A_91 : i32
      %sign3A_93 = arith.extui %sign3A_92 : i1 to i32
      %sign3A_94 = arith.constant 0 : i32
      %sign3A_95 = arith.cmpi slt, %jit3A_82, %sign3A_94 : i32
      %sign3A_96 = arith.extui %sign3A_95 : i1 to i32
      %sign3A_97 = arith.subi %sign3A_93, %sign3A_96 : i32
      %ne3A_98 = arith.cmpi ne, %sign3A_90, %sign3A_97 : i32
      %rem3A_99 = arith.remsi %scan3A_80, %jit3A_82 : i32
      %ne3A_100 = arith.constant 0 : i32
      %ne3A_101 = arith.cmpi ne, %rem3A_99, %ne3A_100 : i32
      %and3A_102 = arith.andi %ne3A_98, %ne3A_101 : i1
      %sub3A_103 = arith.constant 1 : i32
      %sub3A_104 = arith.subi %div3A_83, %sub3A_103 : i32
      %select_n3A_105 = arith.select %and3A_102, %sub3A_104, %div3A_83 : i32
      %sub3A_106 = arith.constant 0 : i32
      %sub3A_107 = arith.subi %select_n3A_105, %sub3A_106 : i32
      %sub3A_108 = arith.constant 1 : i32
      %sub3A_109 = arith.constant 1 : i32
      %sub3A_110 = arith.subi %sub3A_108, %sub3A_109 : i32
      %add3A_111 = arith.addi %sub3A_107, %sub3A_110 : i32
      %div3A_112 = arith.constant 1 : i32
      %div3A_113 = arith.divsi %add3A_111, %div3A_112 : i32
      %while3A_114 = arith.constant 1 : i32
      %while3A_115 = arith.constant 0 : i32
      %while3A_116 = arith.constant 0 : i32
      %while3A_117 = arith.subi %div3A_113, %while3A_116 : i32
      %while3A_118 = arith.addi %while3A_116, %while3A_117 : i32
      %while3A_119 = arith.constant 1 : i32
      %while3A_120 = arith.divsi %while3A_117, %while3A_119 : i32
      %while3A_121 = arith.muli %while3A_120, %while3A_119 : i32
      %while3A_122 = arith.addi %while3A_116, %while3A_121 : i32
      %while3A_123 = arith.constant 1 : i32
      scf.for %while3A_176 = %while3A_116 to %while3A_122 step %while3A_123  : i32 {
        %mul3A_177 = arith.muli %while3A_176, %while3A_114 : i32
        %add3A_178 = arith.addi %while3A_115, %mul3A_177 : i32
        %mul3A_179 = arith.constant 160000 : i32
        %mul3A_180 = arith.muli %add3A, %mul3A_179 : i32
        %add3A_181 = arith.addi %mul3A_180, %scan3A_71 : i32
        %mul3A_182 = arith.constant 64 : i32
        %mul3A_183 = arith.muli %add3A_178, %mul3A_182 : i32
        %add3A_184 = arith.addi %add3A_181, %mul3A_183 : i32
        %multiple_of3A_185 = tpu.assume_multiple %add3A_184, 64 : i32
        %mul3A_186 = arith.constant 64 : i32
        %mul3A_187 = arith.muli %add3A_178, %mul3A_186 : i32
        "tpu.region"() ({
          %run_scoped3A = tpu.sem_alloc : memref<!tpu.dma_semaphore, #tpu.memory_space<semaphore_mem>>
          %dma_start3A = tpu.memref_slice %arg10[%mul3A_187] : memref<2128xi32, #tpu.memory_space<vmem>> -> memref<64xi32, #tpu.memory_space<vmem>>
          %dma_start3A_190 = tpu.memref_slice %arg4[%multiple_of3A_185] : memref<5120000xi32, #tpu.memory_space<hbm>> -> memref<64xi32, #tpu.memory_space<hbm>>
          %dma_start3A_191 = tpu.memref_slice %arg4[%multiple_of3A_185] : memref<5120000xi32, #tpu.memory_space<hbm>> -> memref<64xi32, #tpu.memory_space<hbm>>
          %dma_start3A_192 = tpu.memref_slice %arg10[%mul3A_187] : memref<2128xi32, #tpu.memory_space<vmem>> -> memref<64xi32, #tpu.memory_space<vmem>>
          tpu.enqueue_dma source(%dma_start3A_192 : memref<64xi32, #tpu.memory_space<vmem>>) target(%dma_start3A_191 : memref<64xi32, #tpu.memory_space<hbm>>) target_semaphore(%run_scoped3A : memref<!tpu.dma_semaphore, #tpu.memory_space<semaphore_mem>>)
          %dma_wait3A = tpu.memref_slice %arg10[%mul3A_187] : memref<2128xi32, #tpu.memory_space<vmem>> -> memref<64xi32, #tpu.memory_space<vmem>>
          %dma_wait3A_193 = tpu.memref_slice %arg4[%multiple_of3A_185] : memref<5120000xi32, #tpu.memory_space<hbm>> -> memref<64xi32, #tpu.memory_space<hbm>>
          %dma_wait3A_194 = tpu.memref_slice %arg4[%multiple_of3A_185] : memref<5120000xi32, #tpu.memory_space<hbm>> -> memref<64xi32, #tpu.memory_space<hbm>>
          %dma_wait3A_195 = tpu.memref_slice %arg10[%mul3A_187] : memref<2128xi32, #tpu.memory_space<vmem>> -> memref<64xi32, #tpu.memory_space<vmem>>
          tpu.wait_dma2 semaphore(%run_scoped3A : memref<!tpu.dma_semaphore, #tpu.memory_space<semaphore_mem>>) src(%dma_wait3A_195 : memref<64xi32, #tpu.memory_space<vmem>>) dst(%dma_wait3A_194 : memref<64xi32, #tpu.memory_space<hbm>>)
          tpu.yield
        }) : () -> ()
        %mul3A_188 = arith.constant 64 : i32
        %mul3A_189 = arith.muli %add3A_178, %mul3A_188 : i32
        "tpu.region"() ({
          %run_scoped3A = tpu.sem_alloc : memref<!tpu.dma_semaphore, #tpu.memory_space<semaphore_mem>>
          %dma_start3A = tpu.memref_slice %arg11[%mul3A_189] : memref<2128xi32, #tpu.memory_space<vmem>> -> memref<64xi32, #tpu.memory_space<vmem>>
          %dma_start3A_190 = tpu.memref_slice %arg5[%multiple_of3A_185] : memref<5120000xi32, #tpu.memory_space<hbm>> -> memref<64xi32, #tpu.memory_space<hbm>>
          %dma_start3A_191 = tpu.memref_slice %arg5[%multiple_of3A_185] : memref<5120000xi32, #tpu.memory_space<hbm>> -> memref<64xi32, #tpu.memory_space<hbm>>
          %dma_start3A_192 = tpu.memref_slice %arg11[%mul3A_189] : memref<2128xi32, #tpu.memory_space<vmem>> -> memref<64xi32, #tpu.memory_space<vmem>>
          tpu.enqueue_dma source(%dma_start3A_192 : memref<64xi32, #tpu.memory_space<vmem>>) target(%dma_start3A_191 : memref<64xi32, #tpu.memory_space<hbm>>) target_semaphore(%run_scoped3A : memref<!tpu.dma_semaphore, #tpu.memory_space<semaphore_mem>>)
          %dma_wait3A = tpu.memref_slice %arg11[%mul3A_189] : memref<2128xi32, #tpu.memory_space<vmem>> -> memref<64xi32, #tpu.memory_space<vmem>>
          %dma_wait3A_193 = tpu.memref_slice %arg5[%multiple_of3A_185] : memref<5120000xi32, #tpu.memory_space<hbm>> -> memref<64xi32, #tpu.memory_space<hbm>>
          %dma_wait3A_194 = tpu.memref_slice %arg5[%multiple_of3A_185] : memref<5120000xi32, #tpu.memory_space<hbm>> -> memref<64xi32, #tpu.memory_space<hbm>>
          %dma_wait3A_195 = tpu.memref_slice %arg11[%mul3A_189] : memref<2128xi32, #tpu.memory_space<vmem>> -> memref<64xi32, #tpu.memory_space<vmem>>
          tpu.wait_dma2 semaphore(%run_scoped3A : memref<!tpu.dma_semaphore, #tpu.memory_space<semaphore_mem>>) src(%dma_wait3A_195 : memref<64xi32, #tpu.memory_space<vmem>>) dst(%dma_wait3A_194 : memref<64xi32, #tpu.memory_space<hbm>>)
          tpu.yield
        }) : () -> ()
      }
      %while3A_124 = arith.constant 1 : i32
      scf.for %while3A_176 = %while3A_122 to %while3A_118 step %while3A_124  : i32 {
        %mul3A_177 = arith.muli %while3A_176, %while3A_114 : i32
        %add3A_178 = arith.addi %while3A_115, %mul3A_177 : i32
        %mul3A_179 = arith.constant 160000 : i32
        %mul3A_180 = arith.muli %add3A, %mul3A_179 : i32
        %add3A_181 = arith.addi %mul3A_180, %scan3A_71 : i32
        %mul3A_182 = arith.constant 64 : i32
        %mul3A_183 = arith.muli %add3A_178, %mul3A_182 : i32
        %add3A_184 = arith.addi %add3A_181, %mul3A_183 : i32
        %multiple_of3A_185 = tpu.assume_multiple %add3A_184, 64 : i32
        %mul3A_186 = arith.constant 64 : i32
        %mul3A_187 = arith.muli %add3A_178, %mul3A_186 : i32
        "tpu.region"() ({
          %run_scoped3A = tpu.sem_alloc : memref<!tpu.dma_semaphore, #tpu.memory_space<semaphore_mem>>
          %dma_start3A = tpu.memref_slice %arg10[%mul3A_187] : memref<2128xi32, #tpu.memory_space<vmem>> -> memref<64xi32, #tpu.memory_space<vmem>>
          %dma_start3A_190 = tpu.memref_slice %arg4[%multiple_of3A_185] : memref<5120000xi32, #tpu.memory_space<hbm>> -> memref<64xi32, #tpu.memory_space<hbm>>
          %dma_start3A_191 = tpu.memref_slice %arg4[%multiple_of3A_185] : memref<5120000xi32, #tpu.memory_space<hbm>> -> memref<64xi32, #tpu.memory_space<hbm>>
          %dma_start3A_192 = tpu.memref_slice %arg10[%mul3A_187] : memref<2128xi32, #tpu.memory_space<vmem>> -> memref<64xi32, #tpu.memory_space<vmem>>
          tpu.enqueue_dma source(%dma_start3A_192 : memref<64xi32, #tpu.memory_space<vmem>>) target(%dma_start3A_191 : memref<64xi32, #tpu.memory_space<hbm>>) target_semaphore(%run_scoped3A : memref<!tpu.dma_semaphore, #tpu.memory_space<semaphore_mem>>)
          %dma_wait3A = tpu.memref_slice %arg10[%mul3A_187] : memref<2128xi32, #tpu.memory_space<vmem>> -> memref<64xi32, #tpu.memory_space<vmem>>
          %dma_wait3A_193 = tpu.memref_slice %arg4[%multiple_of3A_185] : memref<5120000xi32, #tpu.memory_space<hbm>> -> memref<64xi32, #tpu.memory_space<hbm>>
          %dma_wait3A_194 = tpu.memref_slice %arg4[%multiple_of3A_185] : memref<5120000xi32, #tpu.memory_space<hbm>> -> memref<64xi32, #tpu.memory_space<hbm>>
          %dma_wait3A_195 = tpu.memref_slice %arg10[%mul3A_187] : memref<2128xi32, #tpu.memory_space<vmem>> -> memref<64xi32, #tpu.memory_space<vmem>>
          tpu.wait_dma2 semaphore(%run_scoped3A : memref<!tpu.dma_semaphore, #tpu.memory_space<semaphore_mem>>) src(%dma_wait3A_195 : memref<64xi32, #tpu.memory_space<vmem>>) dst(%dma_wait3A_194 : memref<64xi32, #tpu.memory_space<hbm>>)
          tpu.yield
        }) : () -> ()
        %mul3A_188 = arith.constant 64 : i32
        %mul3A_189 = arith.muli %add3A_178, %mul3A_188 : i32
        "tpu.region"() ({
          %run_scoped3A = tpu.sem_alloc : memref<!tpu.dma_semaphore, #tpu.memory_space<semaphore_mem>>
          %dma_start3A = tpu.memref_slice %arg11[%mul3A_189] : memref<2128xi32, #tpu.memory_space<vmem>> -> memref<64xi32, #tpu.memory_space<vmem>>
          %dma_start3A_190 = tpu.memref_slice %arg5[%multiple_of3A_185] : memref<5120000xi32, #tpu.memory_space<hbm>> -> memref<64xi32, #tpu.memory_space<hbm>>
          %dma_start3A_191 = tpu.memref_slice %arg5[%multiple_of3A_185] : memref<5120000xi32, #tpu.memory_space<hbm>> -> memref<64xi32, #tpu.memory_space<hbm>>
          %dma_start3A_192 = tpu.memref_slice %arg11[%mul3A_189] : memref<2128xi32, #tpu.memory_space<vmem>> -> memref<64xi32, #tpu.memory_space<vmem>>
          tpu.enqueue_dma source(%dma_start3A_192 : memref<64xi32, #tpu.memory_space<vmem>>) target(%dma_start3A_191 : memref<64xi32, #tpu.memory_space<hbm>>) target_semaphore(%run_scoped3A : memref<!tpu.dma_semaphore, #tpu.memory_space<semaphore_mem>>)
          %dma_wait3A = tpu.memref_slice %arg11[%mul3A_189] : memref<2128xi32, #tpu.memory_space<vmem>> -> memref<64xi32, #tpu.memory_space<vmem>>
          %dma_wait3A_193 = tpu.memref_slice %arg5[%multiple_of3A_185] : memref<5120000xi32, #tpu.memory_space<hbm>> -> memref<64xi32, #tpu.memory_space<hbm>>
          %dma_wait3A_194 = tpu.memref_slice %arg5[%multiple_of3A_185] : memref<5120000xi32, #tpu.memory_space<hbm>> -> memref<64xi32, #tpu.memory_space<hbm>>
          %dma_wait3A_195 = tpu.memref_slice %arg11[%mul3A_189] : memref<2128xi32, #tpu.memory_space<vmem>> -> memref<64xi32, #tpu.memory_space<vmem>>
          tpu.wait_dma2 semaphore(%run_scoped3A : memref<!tpu.dma_semaphore, #tpu.memory_space<semaphore_mem>>) src(%dma_wait3A_195 : memref<64xi32, #tpu.memory_space<vmem>>) dst(%dma_wait3A_194 : memref<64xi32, #tpu.memory_space<hbm>>)
          tpu.yield
        }) : () -> ()
      }
      %mul3A_125 = arith.constant 64 : i32
      %mul3A_126 = arith.muli %select_n3A_105, %mul3A_125 : i32
      %add3A_127 = arith.constant 0 : i32
      %add3A_128 = arith.addi %mul3A_126, %add3A_127 : i32
      %get3A = arith.index_cast %add3A_128 : i32 to index
      %get3A_129 = tpu.vector_load %arg10[%get3A] {strides = array<i32>} : memref<2128xi32, #tpu.memory_space<vmem>>, vector<16xi32>,
      %swap3A_130 = arith.constant 0 : index
      %swap3A_131 = tpu.vector_load %arg10[%swap3A_130] {strides = array<i32>} : memref<2128xi32, #tpu.memory_space<vmem>>, vector<16xi32>,
      tpu.vector_store %arg10[%swap3A_130], %get3A_129 {strides = array<i32>} : memref<2128xi32, #tpu.memory_space<vmem>>, vector<16xi32>,
      %add3A_132 = arith.constant 0 : i32
      %add3A_133 = arith.addi %mul3A_126, %add3A_132 : i32
      %get3A_134 = arith.index_cast %add3A_133 : i32 to index
      %get3A_135 = tpu.vector_load %arg11[%get3A_134] {strides = array<i32>} : memref<2128xi32, #tpu.memory_space<vmem>>, vector<16xi32>,
      %swap3A_136 = arith.constant 0 : index
      %swap3A_137 = tpu.vector_load %arg11[%swap3A_136] {strides = array<i32>} : memref<2128xi32, #tpu.memory_space<vmem>>, vector<16xi32>,
      tpu.vector_store %arg11[%swap3A_136], %get3A_135 {strides = array<i32>} : memref<2128xi32, #tpu.memory_space<vmem>>, vector<16xi32>,
      %add3A_138 = arith.constant 16 : i32
      %add3A_139 = arith.addi %mul3A_126, %add3A_138 : i32
      %get3A_140 = arith.index_cast %add3A_139 : i32 to index
      %get3A_141 = tpu.vector_load %arg10[%get3A_140] {strides = array<i32>} : memref<2128xi32, #tpu.memory_space<vmem>>, vector<16xi32>,
      %swap3A_142 = arith.constant 16 : index
      %swap3A_143 = tpu.vector_load %arg10[%swap3A_142] {strides = array<i32>} : memref<2128xi32, #tpu.memory_space<vmem>>, vector<16xi32>,
      tpu.vector_store %arg10[%swap3A_142], %get3A_141 {strides = array<i32>} : memref<2128xi32, #tpu.memory_space<vmem>>, vector<16xi32>,
      %add3A_144 = arith.constant 16 : i32
      %add3A_145 = arith.addi %mul3A_126, %add3A_144 : i32
      %get3A_146 = arith.index_cast %add3A_145 : i32 to index
      %get3A_147 = tpu.vector_load %arg11[%get3A_146] {strides = array<i32>} : memref<2128xi32, #tpu.memory_space<vmem>>, vector<16xi32>,
      %swap3A_148 = arith.constant 16 : index
      %swap3A_149 = tpu.vector_load %arg11[%swap3A_148] {strides = array<i32>} : memref<2128xi32, #tpu.memory_space<vmem>>, vector<16xi32>,
      tpu.vector_store %arg11[%swap3A_148], %get3A_147 {strides = array<i32>} : memref<2128xi32, #tpu.memory_space<vmem>>, vector<16xi32>,
      %add3A_150 = arith.constant 32 : i32
      %add3A_151 = arith.addi %mul3A_126, %add3A_150 : i32
      %get3A_152 = arith.index_cast %add3A_151 : i32 to index
      %get3A_153 = tpu.vector_load %arg10[%get3A_152] {strides = array<i32>} : memref<2128xi32, #tpu.memory_space<vmem>>, vector<16xi32>,
      %swap3A_154 = arith.constant 32 : index
      %swap3A_155 = tpu.vector_load %arg10[%swap3A_154] {strides = array<i32>} : memref<2128xi32, #tpu.memory_space<vmem>>, vector<16xi32>,
      tpu.vector_store %arg10[%swap3A_154], %get3A_153 {strides = array<i32>} : memref<2128xi32, #tpu.memory_space<vmem>>, vector<16xi32>,
      %add3A_156 = arith.constant 32 : i32
      %add3A_157 = arith.addi %mul3A_126, %add3A_156 : i32
      %get3A_158 = arith.index_cast %add3A_157 : i32 to index
      %get3A_159 = tpu.vector_load %arg11[%get3A_158] {strides = array<i32>} : memref<2128xi32, #tpu.memory_space<vmem>>, vector<16xi32>,
      %swap3A_160 = arith.constant 32 : index
      %swap3A_161 = tpu.vector_load %arg11[%swap3A_160] {strides = array<i32>} : memref<2128xi32, #tpu.memory_space<vmem>>, vector<16xi32>,
      tpu.vector_store %arg11[%swap3A_160], %get3A_159 {strides = array<i32>} : memref<2128xi32, #tpu.memory_space<vmem>>, vector<16xi32>,
      %add3A_162 = arith.constant 48 : i32
      %add3A_163 = arith.addi %mul3A_126, %add3A_162 : i32
      %get3A_164 = arith.index_cast %add3A_163 : i32 to index
      %get3A_165 = tpu.vector_load %arg10[%get3A_164] {strides = array<i32>} : memref<2128xi32, #tpu.memory_space<vmem>>, vector<16xi32>,
      %swap3A_166 = arith.constant 48 : index
      %swap3A_167 = tpu.vector_load %arg10[%swap3A_166] {strides = array<i32>} : memref<2128xi32, #tpu.memory_space<vmem>>, vector<16xi32>,
      tpu.vector_store %arg10[%swap3A_166], %get3A_165 {strides = array<i32>} : memref<2128xi32, #tpu.memory_space<vmem>>, vector<16xi32>,
      %add3A_168 = arith.constant 48 : i32
      %add3A_169 = arith.addi %mul3A_126, %add3A_168 : i32
      %get3A_170 = arith.index_cast %add3A_169 : i32 to index
      %get3A_171 = tpu.vector_load %arg11[%get3A_170] {strides = array<i32>} : memref<2128xi32, #tpu.memory_space<vmem>>, vector<16xi32>,
      %swap3A_172 = arith.constant 48 : index
      %swap3A_173 = tpu.vector_load %arg11[%swap3A_172] {strides = array<i32>} : memref<2128xi32, #tpu.memory_space<vmem>>, vector<16xi32>,
      tpu.vector_store %arg11[%swap3A_172], %get3A_171 {strides = array<i32>} : memref<2128xi32, #tpu.memory_space<vmem>>, vector<16xi32>,
      %sub3A_174 = arith.subi %scan3A_80, %mul3A_126 : i32
      %add3A_175 = arith.addi %scan3A_71, %mul3A_126 : i32
      scf.yield %sub3A_174, %add3A_175 : i32, i32
    }
    %scan3A_20 = arith.constant 80 : i32
    %add3A_21 = arith.constant 64 : i32
    %add3A_22 = arith.addi %scan3A_19#0, %add3A_21 : i32
    %sub3A = arith.constant 1 : i32
    %sub3A_23 = arith.subi %add3A_22, %sub3A : i32
    %jit3A = arith.constant 64 : i32
    %div3A = arith.divsi %sub3A_23, %jit3A : i32
    %sign3A = arith.constant 0 : i32
    %sign3A_24 = arith.cmpi sgt, %sub3A_23, %sign3A : i32
    %sign3A_25 = arith.extui %sign3A_24 : i1 to i32
    %sign3A_26 = arith.constant 0 : i32
    %sign3A_27 = arith.cmpi slt, %sub3A_23, %sign3A_26 : i32
    %sign3A_28 = arith.extui %sign3A_27 : i1 to i32
    %sign3A_29 = arith.subi %sign3A_25, %sign3A_28 : i32
    %sign3A_30 = arith.constant 0 : i32
    %sign3A_31 = arith.cmpi sgt, %jit3A, %sign3A_30 : i32
    %sign3A_32 = arith.extui %sign3A_31 : i1 to i32
    %sign3A_33 = arith.constant 0 : i32
    %sign3A_34 = arith.cmpi slt, %jit3A, %sign3A_33 : i32
    %sign3A_35 = arith.extui %sign3A_34 : i1 to i32
    %sign3A_36 = arith.subi %sign3A_32, %sign3A_35 : i32
    %ne3A = arith.cmpi ne, %sign3A_29, %sign3A_36 : i32
    %rem3A = arith.remsi %sub3A_23, %jit3A : i32
    %ne3A_37 = arith.constant 0 : i32
    %ne3A_38 = arith.cmpi ne, %rem3A, %ne3A_37 : i32
    %and3A = arith.andi %ne3A, %ne3A_38 : i1
    %sub3A_39 = arith.constant 1 : i32
    %sub3A_40 = arith.subi %div3A, %sub3A_39 : i32
    %select_n3A = arith.select %and3A, %sub3A_40, %div3A : i32
    %sub3A_41 = arith.constant 0 : i32
    %sub3A_42 = arith.subi %select_n3A, %sub3A_41 : i32
    %sub3A_43 = arith.constant 1 : i32
    %sub3A_44 = arith.constant 1 : i32
    %sub3A_45 = arith.subi %sub3A_43, %sub3A_44 : i32
    %add3A_46 = arith.addi %sub3A_42, %sub3A_45 : i32
    %div3A_47 = arith.constant 1 : i32
    %div3A_48 = arith.divsi %add3A_46, %div3A_47 : i32
    %while3A = arith.constant 1 : i32
    %while3A_49 = arith.constant 0 : i32
    %while3A_50 = arith.constant 0 : i32
    %while3A_51 = arith.subi %div3A_48, %while3A_50 : i32
    %while3A_52 = arith.addi %while3A_50, %while3A_51 : i32
    %while3A_53 = arith.constant 1 : i32
    %while3A_54 = arith.divsi %while3A_51, %while3A_53 : i32
    %while3A_55 = arith.muli %while3A_54, %while3A_53 : i32
    %while3A_56 = arith.addi %while3A_50, %while3A_55 : i32
    %while3A_57 = arith.constant 1 : i32
    scf.for %while3A_69 = %while3A_50 to %while3A_56 step %while3A_57  : i32 {
      %mul3A_70 = arith.muli %while3A_69, %while3A : i32
      %add3A_71 = arith.addi %while3A_49, %mul3A_70 : i32
      %mul3A_72 = arith.constant 160000 : i32
      %mul3A_73 = arith.muli %add3A, %mul3A_72 : i32
      %add3A_74 = arith.addi %mul3A_73, %scan3A_19#1 : i32
      %mul3A_75 = arith.constant 64 : i32
      %mul3A_76 = arith.muli %add3A_71, %mul3A_75 : i32
      %add3A_77 = arith.addi %add3A_74, %mul3A_76 : i32
      %multiple_of3A_78 = tpu.assume_multiple %add3A_77, 64 : i32
      %mul3A_79 = arith.constant 64 : i32
      %mul3A_80 = arith.muli %add3A_71, %mul3A_79 : i32
      "tpu.region"() ({
        %run_scoped3A = tpu.sem_alloc : memref<!tpu.dma_semaphore, #tpu.memory_space<semaphore_mem>>
        %dma_start3A = tpu.memref_slice %arg10[%mul3A_80] : memref<2128xi32, #tpu.memory_space<vmem>> -> memref<64xi32, #tpu.memory_space<vmem>>
        %dma_start3A_83 = tpu.memref_slice %arg4[%multiple_of3A_78] : memref<5120000xi32, #tpu.memory_space<hbm>> -> memref<64xi32, #tpu.memory_space<hbm>>
        %dma_start3A_84 = tpu.memref_slice %arg4[%multiple_of3A_78] : memref<5120000xi32, #tpu.memory_space<hbm>> -> memref<64xi32, #tpu.memory_space<hbm>>
        %dma_start3A_85 = tpu.memref_slice %arg10[%mul3A_80] : memref<2128xi32, #tpu.memory_space<vmem>> -> memref<64xi32, #tpu.memory_space<vmem>>
        tpu.enqueue_dma source(%dma_start3A_85 : memref<64xi32, #tpu.memory_space<vmem>>) target(%dma_start3A_84 : memref<64xi32, #tpu.memory_space<hbm>>) target_semaphore(%run_scoped3A : memref<!tpu.dma_semaphore, #tpu.memory_space<semaphore_mem>>)
        %dma_wait3A = tpu.memref_slice %arg10[%mul3A_80] : memref<2128xi32, #tpu.memory_space<vmem>> -> memref<64xi32, #tpu.memory_space<vmem>>
        %dma_wait3A_86 = tpu.memref_slice %arg4[%multiple_of3A_78] : memref<5120000xi32, #tpu.memory_space<hbm>> -> memref<64xi32, #tpu.memory_space<hbm>>
        %dma_wait3A_87 = tpu.memref_slice %arg4[%multiple_of3A_78] : memref<5120000xi32, #tpu.memory_space<hbm>> -> memref<64xi32, #tpu.memory_space<hbm>>
        %dma_wait3A_88 = tpu.memref_slice %arg10[%mul3A_80] : memref<2128xi32, #tpu.memory_space<vmem>> -> memref<64xi32, #tpu.memory_space<vmem>>
        tpu.wait_dma2 semaphore(%run_scoped3A : memref<!tpu.dma_semaphore, #tpu.memory_space<semaphore_mem>>) src(%dma_wait3A_88 : memref<64xi32, #tpu.memory_space<vmem>>) dst(%dma_wait3A_87 : memref<64xi32, #tpu.memory_space<hbm>>)
        tpu.yield
      }) : () -> ()
      %mul3A_81 = arith.constant 64 : i32
      %mul3A_82 = arith.muli %add3A_71, %mul3A_81 : i32
      "tpu.region"() ({
        %run_scoped3A = tpu.sem_alloc : memref<!tpu.dma_semaphore, #tpu.memory_space<semaphore_mem>>
        %dma_start3A = tpu.memref_slice %arg11[%mul3A_82] : memref<2128xi32, #tpu.memory_space<vmem>> -> memref<64xi32, #tpu.memory_space<vmem>>
        %dma_start3A_83 = tpu.memref_slice %arg5[%multiple_of3A_78] : memref<5120000xi32, #tpu.memory_space<hbm>> -> memref<64xi32, #tpu.memory_space<hbm>>
        %dma_start3A_84 = tpu.memref_slice %arg5[%multiple_of3A_78] : memref<5120000xi32, #tpu.memory_space<hbm>> -> memref<64xi32, #tpu.memory_space<hbm>>
        %dma_start3A_85 = tpu.memref_slice %arg11[%mul3A_82] : memref<2128xi32, #tpu.memory_space<vmem>> -> memref<64xi32, #tpu.memory_space<vmem>>
        tpu.enqueue_dma source(%dma_start3A_85 : memref<64xi32, #tpu.memory_space<vmem>>) target(%dma_start3A_84 : memref<64xi32, #tpu.memory_space<hbm>>) target_semaphore(%run_scoped3A : memref<!tpu.dma_semaphore, #tpu.memory_space<semaphore_mem>>)
        %dma_wait3A = tpu.memref_slice %arg11[%mul3A_82] : memref<2128xi32, #tpu.memory_space<vmem>> -> memref<64xi32, #tpu.memory_space<vmem>>
        %dma_wait3A_86 = tpu.memref_slice %arg5[%multiple_of3A_78] : memref<5120000xi32, #tpu.memory_space<hbm>> -> memref<64xi32, #tpu.memory_space<hbm>>
        %dma_wait3A_87 = tpu.memref_slice %arg5[%multiple_of3A_78] : memref<5120000xi32, #tpu.memory_space<hbm>> -> memref<64xi32, #tpu.memory_space<hbm>>
        %dma_wait3A_88 = tpu.memref_slice %arg11[%mul3A_82] : memref<2128xi32, #tpu.memory_space<vmem>> -> memref<64xi32, #tpu.memory_space<vmem>>
        tpu.wait_dma2 semaphore(%run_scoped3A : memref<!tpu.dma_semaphore, #tpu.memory_space<semaphore_mem>>) src(%dma_wait3A_88 : memref<64xi32, #tpu.memory_space<vmem>>) dst(%dma_wait3A_87 : memref<64xi32, #tpu.memory_space<hbm>>)
        tpu.yield
      }) : () -> ()
    }
    %while3A_58 = arith.constant 1 : i32
    scf.for %while3A_69 = %while3A_56 to %while3A_52 step %while3A_58  : i32 {
      %mul3A_70 = arith.muli %while3A_69, %while3A : i32
      %add3A_71 = arith.addi %while3A_49, %mul3A_70 : i32
      %mul3A_72 = arith.constant 160000 : i32
      %mul3A_73 = arith.muli %add3A, %mul3A_72 : i32
      %add3A_74 = arith.addi %mul3A_73, %scan3A_19#1 : i32
      %mul3A_75 = arith.constant 64 : i32
      %mul3A_76 = arith.muli %add3A_71, %mul3A_75 : i32
      %add3A_77 = arith.addi %add3A_74, %mul3A_76 : i32
      %multiple_of3A_78 = tpu.assume_multiple %add3A_77, 64 : i32
      %mul3A_79 = arith.constant 64 : i32
      %mul3A_80 = arith.muli %add3A_71, %mul3A_79 : i32
      "tpu.region"() ({
        %run_scoped3A = tpu.sem_alloc : memref<!tpu.dma_semaphore, #tpu.memory_space<semaphore_mem>>
        %dma_start3A = tpu.memref_slice %arg10[%mul3A_80] : memref<2128xi32, #tpu.memory_space<vmem>> -> memref<64xi32, #tpu.memory_space<vmem>>
        %dma_start3A_83 = tpu.memref_slice %arg4[%multiple_of3A_78] : memref<5120000xi32, #tpu.memory_space<hbm>> -> memref<64xi32, #tpu.memory_space<hbm>>
        %dma_start3A_84 = tpu.memref_slice %arg4[%multiple_of3A_78] : memref<5120000xi32, #tpu.memory_space<hbm>> -> memref<64xi32, #tpu.memory_space<hbm>>
        %dma_start3A_85 = tpu.memref_slice %arg10[%mul3A_80] : memref<2128xi32, #tpu.memory_space<vmem>> -> memref<64xi32, #tpu.memory_space<vmem>>
        tpu.enqueue_dma source(%dma_start3A_85 : memref<64xi32, #tpu.memory_space<vmem>>) target(%dma_start3A_84 : memref<64xi32, #tpu.memory_space<hbm>>) target_semaphore(%run_scoped3A : memref<!tpu.dma_semaphore, #tpu.memory_space<semaphore_mem>>)
        %dma_wait3A = tpu.memref_slice %arg10[%mul3A_80] : memref<2128xi32, #tpu.memory_space<vmem>> -> memref<64xi32, #tpu.memory_space<vmem>>
        %dma_wait3A_86 = tpu.memref_slice %arg4[%multiple_of3A_78] : memref<5120000xi32, #tpu.memory_space<hbm>> -> memref<64xi32, #tpu.memory_space<hbm>>
        %dma_wait3A_87 = tpu.memref_slice %arg4[%multiple_of3A_78] : memref<5120000xi32, #tpu.memory_space<hbm>> -> memref<64xi32, #tpu.memory_space<hbm>>
        %dma_wait3A_88 = tpu.memref_slice %arg10[%mul3A_80] : memref<2128xi32, #tpu.memory_space<vmem>> -> memref<64xi32, #tpu.memory_space<vmem>>
        tpu.wait_dma2 semaphore(%run_scoped3A : memref<!tpu.dma_semaphore, #tpu.memory_space<semaphore_mem>>) src(%dma_wait3A_88 : memref<64xi32, #tpu.memory_space<vmem>>) dst(%dma_wait3A_87 : memref<64xi32, #tpu.memory_space<hbm>>)
        tpu.yield
      }) : () -> ()
      %mul3A_81 = arith.constant 64 : i32
      %mul3A_82 = arith.muli %add3A_71, %mul3A_81 : i32
      "tpu.region"() ({
        %run_scoped3A = tpu.sem_alloc : memref<!tpu.dma_semaphore, #tpu.memory_space<semaphore_mem>>
        %dma_start3A = tpu.memref_slice %arg11[%mul3A_82] : memref<2128xi32, #tpu.memory_space<vmem>> -> memref<64xi32, #tpu.memory_space<vmem>>
        %dma_start3A_83 = tpu.memref_slice %arg5[%multiple_of3A_78] : memref<5120000xi32, #tpu.memory_space<hbm>> -> memref<64xi32, #tpu.memory_space<hbm>>
        %dma_start3A_84 = tpu.memref_slice %arg5[%multiple_of3A_78] : memref<5120000xi32, #tpu.memory_space<hbm>> -> memref<64xi32, #tpu.memory_space<hbm>>
        %dma_start3A_85 = tpu.memref_slice %arg11[%mul3A_82] : memref<2128xi32, #tpu.memory_space<vmem>> -> memref<64xi32, #tpu.memory_space<vmem>>
        tpu.enqueue_dma source(%dma_start3A_85 : memref<64xi32, #tpu.memory_space<vmem>>) target(%dma_start3A_84 : memref<64xi32, #tpu.memory_space<hbm>>) target_semaphore(%run_scoped3A : memref<!tpu.dma_semaphore, #tpu.memory_space<semaphore_mem>>)
        %dma_wait3A = tpu.memref_slice %arg11[%mul3A_82] : memref<2128xi32, #tpu.memory_space<vmem>> -> memref<64xi32, #tpu.memory_space<vmem>>
        %dma_wait3A_86 = tpu.memref_slice %arg5[%multiple_of3A_78] : memref<5120000xi32, #tpu.memory_space<hbm>> -> memref<64xi32, #tpu.memory_space<hbm>>
        %dma_wait3A_87 = tpu.memref_slice %arg5[%multiple_of3A_78] : memref<5120000xi32, #tpu.memory_space<hbm>> -> memref<64xi32, #tpu.memory_space<hbm>>
        %dma_wait3A_88 = tpu.memref_slice %arg11[%mul3A_82] : memref<2128xi32, #tpu.memory_space<vmem>> -> memref<64xi32, #tpu.memory_space<vmem>>
        tpu.wait_dma2 semaphore(%run_scoped3A : memref<!tpu.dma_semaphore, #tpu.memory_space<semaphore_mem>>) src(%dma_wait3A_88 : memref<64xi32, #tpu.memory_space<vmem>>) dst(%dma_wait3A_87 : memref<64xi32, #tpu.memory_space<hbm>>)
        tpu.yield
      }) : () -> ()
    }
    %add3A_59 = arith.addi %scan3A_19#1, %scan3A_19#0 : i32
    %broadcast_in_dim3A_60 = vector.broadcast %add3A_59 : i32 to vector<16xi32>
    %swap3A = arith.constant 0 : index
    %swap3A_61 = tpu.vector_load %arg13[%swap3A] {strides = array<i32>} : memref<16xi32, #tpu.memory_space<vmem>>, vector<16xi32>,
    tpu.vector_store %arg13[%swap3A], %broadcast_in_dim3A_60 {strides = array<i32>} : memref<16xi32, #tpu.memory_space<vmem>>, vector<16xi32>,
    %mul3A_62 = arith.constant 16 : i32
    %mul3A_63 = arith.muli %add3A, %mul3A_62 : i32
    %multiple_of3A = tpu.assume_multiple %mul3A_63, 16 : i32
    "tpu.region"() ({
      %run_scoped3A = tpu.sem_alloc : memref<!tpu.dma_semaphore, #tpu.memory_space<semaphore_mem>>
      %dma_start3A = tpu.memref_slice %arg6[%multiple_of3A] : memref<512xi32, #tpu.memory_space<hbm>> -> memref<16xi32, #tpu.memory_space<hbm>>
      %dma_start3A_69 = tpu.memref_slice %arg6[%multiple_of3A] : memref<512xi32, #tpu.memory_space<hbm>> -> memref<16xi32, #tpu.memory_space<hbm>>
      tpu.enqueue_dma source(%arg13 : memref<16xi32, #tpu.memory_space<vmem>>) target(%dma_start3A_69 : memref<16xi32, #tpu.memory_space<hbm>>) target_semaphore(%run_scoped3A : memref<!tpu.dma_semaphore, #tpu.memory_space<semaphore_mem>>)
      %dma_wait3A = tpu.memref_slice %arg6[%multiple_of3A] : memref<512xi32, #tpu.memory_space<hbm>> -> memref<16xi32, #tpu.memory_space<hbm>>
      %dma_wait3A_70 = tpu.memref_slice %arg6[%multiple_of3A] : memref<512xi32, #tpu.memory_space<hbm>> -> memref<16xi32, #tpu.memory_space<hbm>>
      tpu.wait_dma2 semaphore(%run_scoped3A : memref<!tpu.dma_semaphore, #tpu.memory_space<semaphore_mem>>) src(%arg13 : memref<16xi32, #tpu.memory_space<vmem>>) dst(%dma_wait3A_70 : memref<16xi32, #tpu.memory_space<hbm>>)
      tpu.yield
    }) : () -> ()
    %mul3A_64 = arith.constant 320 : i32
    %mul3A_65 = arith.muli %add3A, %mul3A_64 : i32
    %mul3A_66 = arith.constant 16 : i32
    %mul3A_67 = arith.muli %mul3A_65, %mul3A_66 : i32
    %multiple_of3A_68 = tpu.assume_multiple %mul3A_67, 16 : i32
    "tpu.region"() ({
      %run_scoped3A = tpu.sem_alloc : memref<!tpu.dma_semaphore, #tpu.memory_space<semaphore_mem>>
      %dma_start3A = tpu.memref_slice %arg7[%multiple_of3A_68] : memref<163840xi32, #tpu.memory_space<hbm>> -> memref<5120xi32, #tpu.memory_space<hbm>>
      %dma_start3A_69 = tpu.memref_slice %arg7[%multiple_of3A_68] : memref<163840xi32, #tpu.memory_space<hbm>> -> memref<5120xi32, #tpu.memory_space<hbm>>
      tpu.enqueue_dma source(%arg12 : memref<5120xi32, #tpu.memory_space<vmem>>) target(%dma_start3A_69 : memref<5120xi32, #tpu.memory_space<hbm>>) target_semaphore(%run_scoped3A : memref<!tpu.dma_semaphore, #tpu.memory_space<semaphore_mem>>)
      %dma_wait3A = tpu.memref_slice %arg7[%multiple_of3A_68] : memref<163840xi32, #tpu.memory_space<hbm>> -> memref<5120xi32, #tpu.memory_space<hbm>>
      %dma_wait3A_70 = tpu.memref_slice %arg7[%multiple_of3A_68] : memref<163840xi32, #tpu.memory_space<hbm>> -> memref<5120xi32, #tpu.memory_space<hbm>>
      tpu.wait_dma2 semaphore(%run_scoped3A : memref<!tpu.dma_semaphore, #tpu.memory_space<semaphore_mem>>) src(%arg12 : memref<5120xi32, #tpu.memory_space<vmem>>) dst(%dma_wait3A_70 : memref<5120xi32, #tpu.memory_space<hbm>>)
      tpu.yield
    }) : () -> ()
    return
  }
}

</mosaic_0001>

<sc_bundles>
// kernel: _prep.3.cloned.1.call-start
scs
__scs_entry_jumppad:
0x0: {  	(pc) =	sbr.rel $0x88, $3  }
0x1: {  	(tag) =	ssettag $0x0;
	lr =	simm.s32 $0x1  }
0x2: {  	[smem:$0x3F9F] =	sst lr;
	_ =	strace $0xD0000000  }
0x3: {  	_ = 	snop  }
0x4: {  	_ = 	snop  }
0x5: {  	_ = 	snop  }
0x6: {  	_ = 	snop  }
0x7: {  	_ = 	snop  }
__scs_overlays_trampoline_lowered:
0x8: {  	[smem:$0x3FAE] =	sst s0  }
0x9: {  	[smem:$0x3FAF] =	sst s1  }
0xa: {  	[smem:$0x3FB0] =	sst s2  }
0xb: {  	[smem:$0x3FB1] =	sst s3  }
0xc: {  	[smem:$0x3FB2] =	sst s4  }
0xd: {  	[smem:$0x3FB3] =	sst s5  }
0xe: {  	[smem:$0x3FB4] =	sst s6  }
0xf: {  	[smem:$0x3FB5] =	sst s7  }
0x10: {  	[smem:$0x3FB6] =	sst s8  }
0x11: {  	[smem:$0x3FB7] =	sst s9;
	s0 =	simm.s32 @!p0 $0x0  }
0x12: {  	s1 =	sld [smem:$0x3F9D];
	s0 =	simm.s32 @p0 $0x1  }
0x13: {  	[smem:$0x3FB8] =	sst s0;
	s0 =	simm.s32 @!p1 $0x0  }
0x14: {  	s2 =	sld [smem:$0x3F9C];
	s0 =	simm.s32 @p1 $0x1  }
0x15: {  	[smem:$0x3FB9] =	sst s0;
	s0 =	simm.s32 @!p2 $0x0  }
0x16: {  	s3 =	sld [smem:$0x3FDB];
	s0 =	simm.s32 @p2 $0x1  }
0x17: {  	s4 =	simm.s32 $0x1BF5;
	[smem:$0x3FBB] =	sst s0  }
0x18: {  	s0 =	sld [smem:$0x3F9E];
	_ =	swait.ge [sflag:s4], $0x0  }
0x19: {  	s7 =	sld [smem:$0x3F9F]  }
0x1a: {  	s8 =	sadd.s32 $0xFFFFE003, lr  }
0x1b: {  	s9 =	sadd.s32 $0xFFFFFEF7, lr;
	s5 =	simm.s32 $0xFFFFFFFF;
	p2 =	slt.u32 s8, $0xFFFFF086  }
0x1c: {  	p1 =	slt.u32 s9, $0xF7A;
	s5 =	simm.s32 @!p2 $0x0  }
0x1d: {  	s5 =	simm.s32 @p1 $0x1;
	p0 =	seq.s32 s7, s2  }
0x1e: {  	s7 =	smul.u32 @!p0 $0xF7A, s2;
	p2 =	seq.s32 @!p0 s5, $0x0  }
0x1f: {  	s9 =	smul.u32 $0xF7A, s1;
	s8 =	simm.s32 @!p0 $0x1BF5;
	p2 =	por !p2, p0  }
0x20: {  	[sflag:s8] =	ssyncset.s32 @!p0 $0xFFFFF086;
	s6 =	sadd.s32 @!p0 s3, s7;
	s7 =	simm.s32 @!p0 $0x108  }
0x21: {  	s3 =	sadd.s32 s3, s9;
	s6 =	sadd.s32 @!p0 $0x88, s6;
	s7 =	simm.s32 @p2 $0x1082  }
0x22: {  	[simem:s7], [sflag:s8] =	dma.local @!p0 [hbm:s6], $0xF7A  }
0x23: {  	s9 =	sor.u32 $0xD0000000, s2;
	s6 =	simm.s32 $0x108;
	_ =	swait.ge @!p0 [sflag:s8], $0x0  }
0x24: {  	s3 =	sadd.s32 $0x88, s3;
	s6 =	simm.s32 @!p1 $0x1082;
	[sflag:s4] =	ssyncset.s32 $0xFFFFF086  }
0x25: {  	[simem:s6], [sflag:s4] =	dma.local [hbm:s3], $0xF7A  }
0x26: {  	[smem:$0x3F9F] =	sst s1;
	(tag) =	ssettag s2;
	_ =	strace s9  }
0x27: {  	s1 =	sld [smem:$0x3FAF]  }
0x28: {  	s2 =	sld [smem:$0x3FB0]  }
0x29: {  	s4 =	sld [smem:$0x3FB2]  }
0x2a: {  	p0 =	seq.s32 s5, $0x0;
	s5 =	sld [smem:$0x3FB3]  }
0x2b: {  	s6 =	sld [smem:$0x3FB4]  }
0x2c: {  	s7 =	sld [smem:$0x3FB5]  }
0x2d: {  	s3 =	simm.s32 $0x108;
	s8 =	sld [smem:$0x3FB6]  }
0x2e: {  	s3 =	simm.s32 @!p0 $0x1082;
	s9 =	sld [smem:$0x3FB7]  }
0x2f: {  	lr =	sadd.s32 s0, s3;
	s0 =	sld [smem:$0x3FAE]  }
0x30: {  	s3 =	sld [smem:$0x3FB1]  }
0x31: {  	[smem:$0x3FBA] =	sst s10  }
0x32: {  	s10 =	sld [smem:$0x3FB8];
	_ =	sdelay $0x3  }
0x33: {  	p0 =	seq.s32 s10, $0x1;
	s10 =	sld [smem:$0x3FBA];
	_ =	sdelay $0x3  }
0x34: {  	[smem:$0x3FBA] =	sst s10  }
0x35: {  	s10 =	sld [smem:$0x3FB9];
	_ =	sdelay $0x3  }
0x36: {  	p1 =	seq.s32 s10, $0x1;
	s10 =	sld [smem:$0x3FBA];
	_ =	sdelay $0x3  }
0x37: {  	[smem:$0x3FBA] =	sst s10  }
0x38: {  	s10 =	sld [smem:$0x3FBB]  }
0x39: {  	_ = 	snop;
	(pc) =	sbr.ind lr, $3  }
0x3a: {  	_ = 	snop  }
0x3b: {  	_ = 	snop  }
0x3c: {  	p2 =	seq.s32 s10, $0x1;
	s10 =	sld [smem:$0x3FBA]  }
0x3d: {  	_ =	shalt  }
0x3e: {  	_ =	shalt  }
0x3f: {  	_ =	shalt  }
0x40: {  	_ =	shalt  }
0x41: {  	_ =	shalt  }
0x42: {  	_ =	shalt  }
0x43: {  	_ =	shalt  }
0x44: {  	_ =	shalt  }
0x45: {  	_ =	shalt  }
0x46: {  	_ =	shalt  }
0x47: {  	_ =	shalt  }
0x48: {  	_ =	shalt  }
0x49: {  	_ =	shalt  }
0x4a: {  	_ =	shalt  }
0x4b: {  	_ =	shalt  }
0x4c: {  	_ =	shalt  }
0x4d: {  	_ =	shalt  }
0x4e: {  	_ =	shalt  }
0x4f: {  	_ =	shalt  }
0x50: {  	_ =	shalt  }
0x51: {  	_ =	shalt  }
0x52: {  	_ =	shalt  }
0x53: {  	_ =	shalt  }
0x54: {  	_ =	shalt  }
0x55: {  	_ =	shalt  }
0x56: {  	_ =	shalt  }
0x57: {  	_ =	shalt  }
0x58: {  	_ =	shalt  }
0x59: {  	_ =	shalt  }
0x5a: {  	_ =	shalt  }
0x5b: {  	_ =	shalt  }
0x5c: {  	_ =	shalt  }
0x5d: {  	_ =	shalt  }
0x5e: {  	_ =	shalt  }
0x5f: {  	_ =	shalt  }
0x60: {  	_ =	shalt  }
0x61: {  	_ =	shalt  }
0x62: {  	_ =	shalt  }
0x63: {  	_ =	shalt  }
0x64: {  	_ =	shalt  }
0x65: {  	_ =	shalt  }
0x66: {  	_ =	shalt  }
0x67: {  	_ =	shalt  }
0x68: {  	_ =	shalt  }
0x69: {  	_ =	shalt  }
0x6a: {  	_ =	shalt  }
0x6b: {  	_ =	shalt  }
0x6c: {  	_ =	shalt  }
0x6d: {  	_ =	shalt  }
0x6e: {  	_ =	shalt  }
0x6f: {  	_ =	shalt  }
0x70: {  	_ =	shalt  }
0x71: {  	_ =	shalt  }
0x72: {  	_ =	shalt  }
0x73: {  	_ =	shalt  }
0x74: {  	_ =	shalt  }
0x75: {  	_ =	shalt  }
0x76: {  	_ =	shalt  }
0x77: {  	_ =	shalt  }
0x78: {  	_ =	shalt  }
0x79: {  	_ =	shalt  }
0x7a: {  	_ =	shalt  }
0x7b: {  	_ =	shalt  }
0x7c: {  	_ =	shalt  }
0x7d: {  	_ =	shalt  }
0x7e: {  	_ =	shalt  }
0x7f: {  	_ =	shalt  }
0x80: {  	_ =	shalt  }
0x81: {  	_ =	shalt  }
0x82: {  	_ =	shalt  }
0x83: {  	_ =	shalt  }
0x84: {  	_ =	shalt  }
0x85: {  	_ =	shalt  }
0x86: {  	_ =	shalt  }
0x87: {  	_ =	shalt  }
.Lfunc_end0:
.L_simem_size_0:
called_computation_lowered:
.L_overlay_start_0:
0x88: {  	s2 =	sld [smem:$0x3FD9]  }
0x89: {  	s3 =	sld [smem:$0x3FFE];
	_ =	sdelay $0x1  }
0x8a: {  	s1 =	srdreg.scid  }
0x8b: {  	s0 =	sand.u32 $0x1, s1  }
0x8c: {  	s15 =	sshll.u32 s0, $0xA;
	s2 =	sadd.s32 s3, s2  }
0x8d: {  	s2 =	sadd.s32 s2, s15  }
0x8e: {  	[smem:$0x3FC6] =	sst s2  }
0x8f: {  	_ = 	snop  }
0x90: {  	s2 =	sld [smem:$0x3FD0];
	_ =	sdelay $0x1  }
0x91: {  	s16 =	sld [smem:$0x3FC9]  }
0x92: {  	s5 =	simm.s32 $0xA;
	s6 =	simm.s32 $0x10;
	s4 =	sld [smem:$0x3FC8]  }
0x93: {  	[smem:s6], [sflag:s5] =	dma.local [hbm:s2], $0x1  }
0x94: {  	_ =	swait.eq [sflag:s5], $0x1  }
0x95: {  	s17 =	sld [smem:$0x10]  }
0x96: {  	s18 =	sld [smem:$0x11];
	[sflag:s5] =	ssyncset.done $0x0  }
0x97: {  	s7 =	sld [smem:$0x12];
	[sflag:s5] =	ssyncadd.s32 $0xFFFFFFFF  }
0x98: {  	s19 =	sld [smem:$0x13];
	(tm) =	ssettm $0x1  }
0x99: {  	s8 =	sld [smem:$0x3FFB];
	_ =	sdelay $0x3  }
0x9a: {  	_ =	strace s8  }
0x9b: {  	s8 =	sld [smem:$0x3FFC];
	_ =	sdelay $0x3  }
0x9c: {  	_ =	strace s8  }
0x9d: {  	s8 =	sld [smem:$0x3FFD];
	_ =	sdelay $0x3  }
0x9e: {  	_ =	strace s8  }
0x9f: {  	_ =	strace $0x8FFFFFFF  }
0xa0: {  	s20 =	sld [smem:$0x3FDB];
	_ =	sdelay $0x1  }
0xa1: {  	s9 =	simm.s32 $_scs_section_size  }
0xa2: {  	s10 =	simm.s32 $_size__tile_overlayer_lowered;
	s11 =	simm.s32 $_tile_overlayer_lowered  }
0xa3: {  	s23 =	simm.s32 $0x1BFF;
	s22 =	sshll.u32 s11, $0x1;
	s8 =	sadd.s32 s9, s20  }
0xa4: {  	s12 =	simm.s32 $0x0;
	s21 =	sshll.u32 s10, $0x1;
	s10 =	sadd.s32 s22, s8  }
0xa5: {  	[timem:s12], [sflag:s23] =	dma.local [hbm:s10], s21  }
0xa6: {  	_ =	swait.ge [sflag:s23], s21  }
0xa7: {  	s9 =	ssub.s32 $0x0, s21;
	[sflag:s23] =	ssyncset.done $0x0  }
0xa8: {  	[sflag:s23] =	ssyncadd.s32 s9;
	_ =	sdelay $0x1  }
0xa9: {  	s24 =	simm.s32 $0x1B8B  }
0xaa: {  	_ =	swait.ge [sflag:s24], $0x1  }
0xab: {  	[sflag:s24] =	ssyncset.done $0x0  }
0xac: {  	s25 =	simm.s32 $0x1B8E;
	[sflag:s24] =	ssyncadd.s32 $0xFFFFFFFF  }
0xad: {  	s26 =	simm.s32 $execute0_lowered;
	[smem:$0x3FD2] =	sst s25  }
0xae: {  	s9 =	sshll.u32 s26, $0x1;
	_ =	strace $0x80000046;
	[dreg:$0x1] =	wrdreg $0xFFFFFFFF  }
0xaf: {  	s28 =	simm.s32 $_size_execute0_lowered;
	s8 =	sadd.s32 s8, s9;
	[dreg:$0x0] =	wrdreg $0x0  }
0xb0: {  	s9 =	sshll.u32 s28, $0x1;
	[dreg:$0x2] =	wrdreg s8  }
0xb1: {  	[dreg:$0x3] =	wrdreg s9  }
0xb2: {  	[dreg:$0x4] =	wrdreg $0xC0  }
0xb3: {  	_ =	task [dreg:s12], $0x5FFFF  }
0xb4: {  	[dreg:$0x1] =	wrdreg $0xFFFFFFFF  }
0xb5: {  	[dreg:$0x0] =	wrdreg $0x60  }
0xb6: {  	[dreg:$0x2] =	wrdreg s16  }
0xb7: {  	[dreg:$0x3] =	wrdreg s4  }
0xb8: {  	[dreg:$0x4] =	wrdreg s17  }
0xb9: {  	[dreg:$0x5] =	wrdreg s18  }
0xba: {  	[dreg:$0x6] =	wrdreg s7  }
0xbb: {  	[dreg:$0x7] =	wrdreg s19  }
0xbc: {  	[dreg:$0x8] =	wrdreg $0x9  }
0xbd: {  	_ =	task.clear_ibuf [dreg:s12], $0x9FFFF;
	_ =	strace $0x90000046  }
0xbe: {  	s29 =	simm.s32 $0x9;
	_ =	strace $0x80000048  }
0xbf: {  	_ =	swait.ge [sflag:s29], $0x1  }
0xc0: {  	[sflag:s29] =	ssyncadd.s32 $0xFFFFFFFF  }
0xc1: {  	_ =	strace $0x90000048  }
0xc2: {  	_ =	sfence  }
0xc3: {  	s30 =	sld [smem:$0x0];
	_ =	sdelay $0x2  }
0xc4: {  	s31 =	sshll.u32 s1, $0xD;
	s1 =	sshrl.u32 s1, $0x2  }
0xc5: {  	s3 =	sand.u32 $0x4000, s31;
	s1 =	sadd.s32 s1, s30  }
0xc6: {  	s0 =	sor.u32 s3, s0;
	s1 =	sshll.u32 s1, $0x11  }
0xc7: {  	s0 =	sor.u32 s1, s0  }
0xc8: {  	s0 =	sadd.s32 $0x8F2B, s0  }
0xc9: {  	[sflag:s0] =	ssyncadd.remote.s32 $0x1  }
0xca: {  	_ =	sfence.sel $0xFFFF  }
0xcb: {  	[dreg:$0x0] =	wrdreg $0xFFFFFFFF;
	(pc) =	sbr.abs _section_cstart, $3  }
0xcc: {  	[dreg:$0x1] =	wrdreg $0xFFFFFFFF  }
0xcd: {  	_ =	task.clear_ibuf [dreg:s12], $0x2FFFF;
	_ =	strace $0x9FFFFFFF  }
0xce: {  	(tm) =	ssettm $0x7FFFFFFF  }
0xcf: {  	_ =	shalt  }
tec
execute0_lowered:
.L_overlay_start_1:
0x0: {  	(tag) =	ssettag $0x1  }
0x1: {  	s0 =	srdreg.scid;
	s7 =	rddreg [dreg:$0x4]  }
0x2: {  	s1 =	stileid.u32;
	s8 =	rddreg [dreg:$0x5];
	s0 =	sand.u32 $0x1, s0  }
0x3: {  	v2 =	vimm.s32 $0xECA86420;
	s2 =	simm.s32 $0x0;
	s28 =	smul.u32 $0x27100, s1;
	s4 =	sshll.u32 s0, $0x4  }
0x4: {  	vm0 =	vcmask $0xB08;
	vm1 =	vcmask $0x1310;
	vm2 =	vcmask $0x1B18;
	s9 =	ssub.s32 $0x2, s0;
	s0 =	smul.u32 $0x271000, s0;
	s5 =	sor.u32 s1, s4  }
0x5: {  	vm3 =	vcmask $0x300;
	vm4 =	vcmask $0x2320;
	vm5 =	vcmask $0x2B28;
	[smem:$0x7FF] =	sst s2;
	s6 =	smul.u32 $0xFFFFFEC0, s5  }
0x6: {  	v4 =	vlaneseq.u32;
	vm6 =	vcmask $0x3330;
	vm7 =	vcmask $0x3B38;
	_ =	strace $0x80000047;
	s11 =	sshrl.u32 s9, $0x1;
	s10 =	smul.u32 $0x280, s5  }
.Ltmp0:
0x7: {  	vm8 =	vmmov $0xff;
	vm9 =	vcmask $0x704;
	v0 =	vmov s5;
	s5 =	sshll.u32 s5, $0x1;
	s0 =	sadd.s32 s28, s0;
	(pc) =	sbr.rel .LBB2_1-.Ltmp0, $4  }
0x8: {  	vm10 =	vcmask $0xF0C;
	vm11 =	vcmask $0x1714;
	vm12 =	vcmask $0x1F1C;
	s9 =	ssub.s32 s9, s11;
	s29 =	sadd.s32 s7, s5;
	[dreg:$0xc] =	wrdreg s0  }
0x9: {  	vm13 =	vcmask $0x2724;
	vm14 =	vcmask $0x2F2C;
	v3 =	vunpack.c.l.s4.s8 v2;
	s31 =	smax.u32 s9, $0x1;
	[dreg:$0x9] =	wrdreg s29  }
0xa: {  	vm15 =	vcmask $0x3734;
	v6 =	vimm.s32 $0x1;
	v2 =	vimm.s32 $0x0;
	s1 =	simm.s32 $0x0;
	s30 =	sadd.s32 s8, s10;
	[dreg:$0xb] =	wrdreg s31  }
0xb: {  	v5 =	vmul.u32 $0x2, v4;
	v3 =	vunpack.c.0.s8.s32 v3;
	s11 =	simm.s32 $0x2100;
	v1 =	vmov s6;
	s6 =	simm.s32 $0x1;
	[dreg:$0xa] =	wrdreg s30  }
.LBB2_18:
0xc: {  	s14 =	simm.s32 $0x1000  }
.LBB2_22:
0xd: {  	s1 =	sadd.s32 @p0 $0x40, s14  }
0xe: {  	s2 =	sadd.s32 s2, s7;
	[sflag:s6] =	ssyncadd.s32 @p0 $0xFFFFFFC0;
	s0 =	smov.u32 @p0 s1  }
0xf: {  	[hbm4b:s2+s4] =	stream.linear.scatter [tilespmem:s0], [sflag:$0x1], $0x40, $0x38;
	[tilespmem:$0x3580] =	vst v63  }
0x10: {  	_ =	swait.ge [sflag:s6], $0x40  }
0x11: {  	[sflag:s6] =	ssyncset.done $0x0  }
0x12: {  	s31 =	sadd.s32 s3, s7;
	[sflag:s6] =	ssyncadd.s32 $0xFFFFFFC0  }
0x13: {  	[hbm4b:s31+s4] =	stream.linear.scatter [tilespmem:s5], [sflag:$0x1], $0x40, $0x38;
	[tilespmem:$0x3580] =	vst v63  }
0x14: {  	_ =	swait.ge [sflag:s6], $0x40  }
0x15: {  	[sflag:s6] =	ssyncset.done $0x0  }
0x16: {  	s2 =	rddreg [dreg:$0xd];
	[sflag:s6] =	ssyncadd.s32 $0xFFFFFFC0  }
.LBB2_23:
0x17: {  	s0 =	sadd.s32 s9, s21  }
0x18: {  	v7 =	vmov s0  }
0x19: {  	s29 =	rddreg [dreg:$0x9];
	s1 =	simm.s32 $0x3500;
	[tilespmem:$0x3500] =	vst v7  }
0x1a: {  	[hbm4b:s29+s4] =	stream.linear.scatter [tilespmem:s1], [sflag:$0x1], $0x10, $0x38;
	[tilespmem:$0x3580] =	vst v63  }
0x1b: {  	_ =	swait.ge [sflag:s6], $0x10  }
0x1c: {  	[sflag:s6] =	ssyncset.done $0x0  }
0x1d: {  	s30 =	rddreg [dreg:$0xa];
	[sflag:s6] =	ssyncadd.s32 $0xFFFFFFF0  }
0x1e: {  	[hbm4b:s30+s4] =	stream.linear.scatter [tilespmem:s11], [sflag:$0x1], $0x1400, $0x38;
	[tilespmem:$0x3580] =	vst v63  }
0x1f: {  	_ =	swait.ge [sflag:s6], $0x1400  }
0x20: {  	s1 =	sadd.s32 $0x1, s2;
	s31 =	rddreg [dreg:$0xb]  }
0x21: {  	p0 =	sne.s32 s1, s31  }
.Ltmp1:
0x22: {  	_ = 	snop;
	(pc) =	sbr.rel @!p0 .LBB2_24-.Ltmp1, $3  }
0x23: {  	_ =	sdelay $0x1  }
0x24: {  	[sflag:s6] =	ssyncset.done $0x0  }
0x25: {  	[sflag:s6] =	ssyncadd.s32 $0xFFFFEC00  }
.LBB2_1:
0x26: {  	s0 =	simm.s32 $0x40;
	s5 =	simm.s32 $0x0  }
.LBB2_2:
0x27: {  	p0 =	sne.s32 s0, $0x4FC0;
	[tilespmem:s5+$0x2100] =	vst v2;
	s5 =	smov.u32 s0;
	s0 =	sadd.s32 $0x40, s0  }
.Ltmp2:
0x28: {  	(pc) =	sbr.rel @p0 .LBB2_2-.Ltmp2, $2  }
0x29: {  	_ =	sdelay $0x2  }
0x2a: {  	s5 =	sshra.s32 s5, $0x2  }
0x2b: {  	[tilespmem:s5+$0x2100] =	vst v2;
	s18 =	simm.s32 $0x0;
	s0 =	simm.s32 $0x40;
	s5 =	simm.s32 $0x0  }
.LBB2_4:
0x2c: {  	p0 =	sne.s32 s0, $0x2100;
	[tilespmem:s5+$0x1000] =	vst v2;
	s7 =	smov.u32 s0;
	s0 =	sadd.s32 $0x40, s0  }
.Ltmp3:
0x2d: {  	[tilespmem:s5+$0x1880] =	vst v2;
	(pc) =	sbr.rel @p0 .LBB2_4-.Ltmp3, $2  }
0x2e: {  	_ =	sdelay $0x2  }
0x2f: {  	s5 =	sshra.s32 s7, $0x2  }
.Ltmp4:
0x30: {  	(pc) =	sbr.rel .LBB2_6-.Ltmp4, $3  }
0x31: {  	_ =	sdelay $0x1  }
0x32: {  	[tilespmem:s5+$0x1000] =	vst v2  }
0x33: {  	[dreg:$0xd] =	wrdreg s1;
	[tilespmem:s5+$0x1880] =	vst v2;
	s13 =	simm.s32 $0x0;
	s1 =	simm.s32 $0x0  }
.LBB2_10:
0x34: {  	s14 =	simm.s32 $0x1000  }
.LBB2_14:
0x35: {  	s1 =	sadd.s32 @p2 $0x40, s14  }
0x36: {  	s2 =	sadd.s32 s2, s7;
	[sflag:s6] =	ssyncadd.s32 @p2 $0xFFFFFFC0;
	s0 =	smov.u32 @p2 s1  }
0x37: {  	[hbm4b:s2+s4] =	stream.linear.scatter [tilespmem:s0], [sflag:$0x1], $0x40, $0x38;
	[tilespmem:$0x3580] =	vst v63  }
0x38: {  	_ =	swait.ge [sflag:s6], $0x40  }
0x39: {  	[sflag:s6] =	ssyncset.done $0x0  }
0x3a: {  	s31 =	sadd.s32 s3, s7;
	[sflag:s6] =	ssyncadd.s32 $0xFFFFFFC0  }
0x3b: {  	[hbm4b:s31+s4] =	stream.linear.scatter [tilespmem:s5], [sflag:$0x1], $0x40, $0x38;
	[tilespmem:$0x3580] =	vst v63  }
0x3c: {  	_ =	swait.ge [sflag:s6], $0x40  }
0x3d: {  	[sflag:s6] =	ssyncset.done $0x0  }
0x3e: {  	[sflag:s6] =	ssyncadd.s32 $0xFFFFFFC0  }
.LBB2_15:
0x3f: {  	s0 =	sshll.u32 s20, $0x6  }
0x40: {  	v7 =	vld [tilespmem:s0+$0x1000];
	_ =	sdelay $0x4  }
0x41: {  	[tilespmem:$0x1000] =	vst v7  }
0x42: {  	v7 =	vld [tilespmem:s0+$0x1880];
	_ =	sdelay $0x4  }
0x43: {  	[tilespmem:$0x1880] =	vst v7  }
0x44: {  	v7 =	vld [tilespmem:s0+$0x1010];
	_ =	sdelay $0x4  }
0x45: {  	[tilespmem:$0x1010] =	vst v7  }
0x46: {  	v7 =	vld [tilespmem:s0+$0x1890];
	_ =	sdelay $0x4  }
0x47: {  	[tilespmem:$0x1890] =	vst v7  }
0x48: {  	v7 =	vld [tilespmem:s0+$0x1020];
	_ =	sdelay $0x4  }
0x49: {  	[tilespmem:$0x1020] =	vst v7  }
0x4a: {  	v7 =	vld [tilespmem:s0+$0x18A0];
	_ =	sdelay $0x4  }
0x4b: {  	[tilespmem:$0x18A0] =	vst v7  }
0x4c: {  	v7 =	vld [tilespmem:s0+$0x1030];
	_ =	sdelay $0x3  }
0x4d: {  	s1 =	rddreg [dreg:$0xe]  }
0x4e: {  	s1 =	sadd.s32 $0x1, s1;
	[tilespmem:$0x1030] =	vst v7  }
0x4f: {  	p2 =	sne.s32 s1, $0x50;
	v7 =	vld [tilespmem:s0+$0x18B0]  }
.Ltmp5:
0x50: {  	_ = 	snop;
	(pc) =	sbr.rel @!p2 .LBB2_16-.Ltmp5, $3  }
0x51: {  	_ =	sdelay $0x1  }
0x52: {  	vm9 =	vmmov vm11;
	vm10 =	vmmov vm12  }
0x53: {  	vm11 =	vmmov vm13;
	vm12 =	vcmask $0x1F1C;
	vm13 =	vcmask $0x2724;
	s13 =	ssub.s32 s21, s0;
	s18 =	sadd.s32 s9, s0;
	[tilespmem:$0x18B0] =	vst v7  }
.LBB2_6:
0x54: {  	s0 =	smul.u32 $0xFA, s1  }
0x55: {  	s16 =	rddreg [dreg:$0x1]  }
0x56: {  	[dreg:$0xe] =	wrdreg s1;
	s7 =	simm.s32 $0x0;
	s5 =	sadd.s32 s16, s0  }
0x57: {  	[tilespmem:s7], [sflag:$0x1] =	stream.linear.gather [hbm4b:s5+s7], $0x7D0, $0x38;
	[tilespmem:$0x3580] =	vst v63  }
0x58: {  	_ =	swait.ge [sflag:s6], $0x7D0  }
0x59: {  	[sflag:s6] =	ssyncset.done $0x0  }
0x5a: {  	[sflag:s6] =	ssyncadd.s32 $0xFFFFF830  }
0x5b: {  	s17 =	rddreg [dreg:$0x0]  }
0x5c: {  	s19 =	simm.s32 $0x800;
	s0 =	sadd.s32 s17, s0  }
0x5d: {  	[tilespmem:s19], [sflag:$0x1] =	stream.linear.gather [hbm4b:s0+s7], $0x7D0, $0x38;
	[tilespmem:$0x3580] =	vst v63  }
0x5e: {  	_ =	swait.ge [sflag:s6], $0x7D0  }
0x5f: {  	[sflag:s6] =	ssyncset.done $0x0  }
0x60: {  	s3 =	simm.s32 $0x0;
	[sflag:s6] =	ssyncadd.s32 $0xFFFFF830  }
0x61: {  	v7 =	vld [tilespmem:s3+$0x0];
	_ =	sdelay $0x4  }
0x62: {  	(v2sf) =	vpush v7, $0x3  }
0x63: {  	(v2sf) =	vpush v7, $0x2;
	_ =	sdelay $0x2  }
0x64: {  	(v2sf) =	vpush v7, $0x0  }
0x65: {  	(v2sf) =	vpush v7, $0x7;
	_ =	sdelay $0x2  }
0x66: {  	(v2sf) =	vpush v7, $0x4  }
0x67: {  	(v2sf) =	vpush v7, $0xC  }
0x68: {  	(v2sf) =	vpush v7, $0x1;
	_ =	sdelay $0x1  }
0x69: {  	(v2sf) =	vpush v7, $0x8;
	_ =	sdelay $0x2  }
0x6a: {  	(v2sf) =	vpush v7, $0x9;
	s20 =	spop (v2sf)  }
0x6b: {  	s1 =	spop (v2sf);
	s0 =	smulhi.u32 $0x66666667, s20  }
0x6c: {  	(v2sf) =	vpush v7, $0xD;
	s22 =	sshra.s32 s20, $0x1F;
	s8 =	smulhi.u32 $0x66666667, s1  }
0x6d: {  	(v2sf) =	vpush v7, $0x5;
	s5 =	sshra.s32 s1, $0x1F;
	s24 =	smul.u32 $0x66666667, s22  }
0x6e: {  	s2 =	spop (v2sf);
	s5 =	smul.u32 $0x66666667, s5  }
0x6f: {  	(v2sf) =	vpush v7, $0xE;
	s14 =	spop (v2sf);
	s7 =	smulhi.u32 $0x66666667, s2  }
0x70: {  	(v2sf) =	vpush v7, $0xF;
	s28 =	sshra.s32 s2, $0x1F;
	s17 =	sshra.s32 s14, $0x1F;
	s14 =	smulhi.u32 $0x66666667, s14  }
0x71: {  	(v2sf) =	vpush v7, $0x6;
	s28 =	smul.u32 $0x66666667, s28  }
0x72: {  	(v2sf) =	vpush v7, $0xA;
	s21 =	spop (v2sf);
	s24 =	sadd.s32 s24, s0;
	s17 =	smul.u32 $0x66666667, s17  }
0x73: {  	(v2sf) =	vpush v7, $0xB;
	s23 =	spop (v2sf);
	s6 =	sshra.s32 s21, $0x1F;
	s21 =	smulhi.u32 $0x66666667, s21  }
0x74: {  	s22 =	sadd.s32 s5, s8;
	s25 =	spop (v2sf);
	s29 =	smul.u32 $0x66666667, s6  }
0x75: {  	s8 =	sshra.s32 s23, $0x1F;
	s9 =	smulhi.u32 $0x66666667, s23;
	s31 =	sshra.s32 s22, $0x7  }
0x76: {  	s26 =	smulhi.u32 $0x66666667, s25;
	s30 =	spop (v2sf);
	s16 =	sshra.s32 s25, $0x1F  }
0x77: {  	s5 =	smul.u32 $0x66666667, s8;
	s17 =	sadd.s32 s17, s14;
	s14 =	sshra.s32 s22, $0x1F  }
0x78: {  	s25 =	sadd.s32 s28, s7;
	s22 =	sshrl.u32 s22, $0x1F;
	s4 =	sshra.s32 s30, $0x1F  }
0x79: {  	s23 =	smul.u32 $0x66666667, s16;
	s19 =	spop (v2sf);
	s1 =	sshra.s32 s17, $0x1F  }
0x7a: {  	s12 =	sshra.s32 s19, $0x1F;
	s8 =	sadd.s32 s5, s9;
	s5 =	smulhi.u32 $0x66666667, s19  }
0x7b: {  	s21 =	sadd.s32 s29, s21;
	s15 =	spop (v2sf);
	s12 =	smul.u32 $0x66666667, s12  }
0x7c: {  	s2 =	spop (v2sf);
	s16 =	sshra.s32 s15, $0x1F;
	s15 =	smulhi.u32 $0x66666667, s15  }
0x7d: {  	v8 =	vmov s1;
	s1 =	sshra.s32 s25, $0x1F;
	s10 =	sshra.s32 s2, $0x1F;
	s2 =	smulhi.u32 $0x66666667, s2  }
0x7e: {  	s26 =	sadd.s32 s23, s26;
	s16 =	smul.u32 $0x66666667, s16;
	s20 =	spop (v2sf)  }
0x7f: {  	s29 =	sshra.s32 s26, $0x1F;
	s10 =	smul.u32 $0x66666667, s10;
	s6 =	spop (v2sf)  }
0x80: {  	s9 =	sshra.s32 s6, $0x1F;
	s28 =	spop (v2sf);
	s7 =	smulhi.u32 $0x66666667, s6  }
0x81: {  	s19 =	spop (v2sf);
	s23 =	smul.u32 $0x66666667, s9;
	s9 =	sadd.s32 s12, s5  }
0x82: {  	s12 =	spop (v2sf);
	s6 =	sshra.s32 s19, $0x1F;
	s19 =	smulhi.u32 $0x66666667, s19  }
0x83: {  	s5 =	sadd.s32 s10, s2;
	s2 =	sshrl.u32 s8, $0x1F;
	s10 =	smulhi.u32 $0x66666667, s12  }
0x84: {  	s7 =	sadd.s32 s23, s7;
	s12 =	sshra.s32 s12, $0x1F;
	s23 =	smul.u32 $0x66666667, s6  }
0x85: {  	s6 =	sshra.s32 s25, $0x7;
	s25 =	sshrl.u32 s25, $0x1F;
	s0 =	smul.u32 $0x66666667, s12  }
0x86: {  	s12 =	sadd.s32 s23, s19;
	s19 =	sshra.s32 s28, $0x1F;
	s28 =	smulhi.u32 $0x66666667, s28  }
0x87: {  	s8 =	sshra.s32 s8, $0x7;
	v8 =	vsel vm3, s6, v8;
	v9 =	vmov s25;
	s23 =	sadd.s32 s0, s10;
	s10 =	smul.u32 $0x66666667, s19  }
0x88: {  	s6 =	sshra.s32 s26, $0x7;
	s26 =	sshrl.u32 s26, $0x1F;
	v8 =	vsel vm9, s1, v8;
	v9 =	vnsel vm3, $0x0, v9;
	s19 =	smulhi.u32 $0x66666667, s30  }
0x89: {  	v8 =	vsel vm0, s6, v8;
	s30 =	sshra.s32 s24, $0x7;
	s6 =	smul.u32 $0x66666667, s4;
	v9 =	vsel vm0, s26, v9;
	s26 =	sadd.s32 s16, s15  }
0x8a: {  	v8 =	vsel vm10, s29, v8;
	s29 =	sshra.s32 s20, $0x1F;
	s20 =	smulhi.u32 $0x66666667, s20;
	s4 =	sshrl.u32 s26, $0x1F  }
0x8b: {  	v10 =	vmov s2;
	v9 =	vsel vm1, s22, v9;
	s0 =	sadd.s32 s10, s28;
	v8 =	vsel vm1, s31, v8;
	s31 =	sshra.s32 s24, $0x1F;
	s24 =	sshrl.u32 s24, $0x1F  }
0x8c: {  	v11 =	vmov s8;
	s1 =	smul.u32 $0x66666667, s29;
	s10 =	sadd.s32 s6, s19;
	s29 =	sshrl.u32 s21, $0x1F;
	v8 =	vsel vm11, s14, v8;
	v9 =	vsel vm2, s24, v9  }
0x8d: {  	s16 =	sshrl.u32 s9, $0x1F;
	v10 =	vsel vm0, s4, v10;
	s15 =	sshrl.u32 s10, $0x1F;
	v8 =	vsel vm2, s30, v8;
	s30 =	sshra.s32 s10, $0x7;
	v9 =	vsel vm4, s29, v9  }
0x8e: {  	s19 =	sshra.s32 s21, $0x7;
	s1 =	sadd.s32 s1, s20;
	v13 =	vmov s15;
	s20 =	sshra.s32 s26, $0x7;
	v8 =	vsel vm12, s31, v8;
	v12 =	vmov s30  }
0x8f: {  	s6 =	sshra.s32 s9, $0x7;
	s31 =	sshrl.u32 s5, $0x1F;
	s8 =	sshrl.u32 s1, $0x1F;
	v11 =	vsel vm0, s20, v11;
	v13 =	vsel vm0, s16, v13;
	v8 =	vsel vm4, s19, v8  }
0x90: {  	s28 =	sshra.s32 s21, $0x1F;
	s1 =	sshra.s32 s1, $0x7;
	v9 =	vsel vm5, s31, v9;
	v12 =	vsel vm0, s6, v12;
	v10 =	vsel vm1, s8, v10;
	s19 =	sshrl.u32 s7, $0x1F  }
0x91: {  	s22 =	sshra.s32 s12, $0x7;
	s24 =	sshra.s32 s7, $0x7;
	s29 =	sshrl.u32 s0, $0x1F;
	v11 =	vsel vm1, s1, v11;
	v8 =	vsel vm13, s28, v8;
	v10 =	vsel vm2, s19, v10  }
0x92: {  	s25 =	sshra.s32 s5, $0x7;
	s26 =	sshra.s32 s23, $0x7;
	s30 =	sshrl.u32 s17, $0x1F;
	v12 =	vsel vm1, s22, v12;
	v11 =	vsel vm2, s24, v11;
	v9 =	vsel vm6, s29, v9  }
0x93: {  	s5 =	sshra.s32 s5, $0x1F;
	v8 =	vsel vm5, s25, v8;
	s25 =	sshrl.u32 s12, $0x1F;
	v12 =	vsel vm2, s26, v12;
	v9 =	vsel vm7, s30, v9  }
0x94: {  	s21 =	sshra.s32 s0, $0x7;
	s28 =	sshrl.u32 s23, $0x1F;
	v8 =	vsel vm14, s5, v8;
	v13 =	vsel vm1, s25, v13;
	v11 =	vcombine.low v12, v11  }
0x95: {  	s0 =	sshra.s32 s0, $0x1F;
	vm14 =	vmmov vm10;
	v8 =	vsel vm6, s21, v8;
	v13 =	vsel vm2, s28, v13  }
0x96: {  	s31 =	sshra.s32 s17, $0x7;
	v8 =	vsel vm15, s0, v8;
	v10 =	vcombine.low v13, v10;
	vm15 =	vmmov vm11  }
0x97: {  	v63 =	vsel vm7, s31, v8;
	v8 =	vperm.xlane v9, v5;
	v9 =	vperm.xlane v11, v3  }
0x98: {  	[dreg:$0xf] =	wrdreg s18;
	s20 =	simm.s32 $0x40;
	vm11 =	vmmov vm9;
	v10 =	vperm.xlane v10, v3;
	v11 =	vperm.xlane v63, v5  }
.LBB2_7:
0x99: {  	_ = 	snop  }
0x9a: {  	v8 =	vsel vm8, v8, v10;
	v9 =	vsel vm8, v11, v9  }
0x9b: {  	v8 =	vadd.s32 v8, v9  }
0x9c: {  	v9 =	vmul.u32 $0xFFFFFEC0, v8  }
0x9d: {  	v10 =	vsub.s32 $0x0, v7  }
0x9e: {  	vm9 =	vlt.s32 v7, $0x1;
	vm10 =	vne.s32 v9, v10  }
0x9f: {  	vm9 =	vmand vm9, vm10  }
0xa0: {  	v9 =	vsel vm9, $0xFFFFFFFF, v2  }
0xa1: {  	v11 =	vld [tilespmem:s3+$0x800];
	v7 =	vadd.s32 v1, v7;
	v8 =	vadd.s32 v9, v8  }
0xa2: {  	vm9 =	veq.s32 v8, v0;
	v8 =	vshll.u32 v7, $0x4  }
0xa3: {  	v8 =	vor.u32 v4, v8;
	_ =	sdelay $0x2  }
0xa4: {  	[tilespmem:s13+$0x1000] =	vst.msk vm9, v11;
	v9 =	vmpcnt.ones.xlane vm9  }
0xa5: {  	s0 =	smov.u32 s20;
	[tilespmem:s13+$0x1880] =	vst.msk vm9, v7  }
0xa6: {  	s0 =	sshra.s32 s0, $0x2;
	(v2sf) =	vpush v9, $0x0;
	[tilespmem:v8+s11+$0x0] =	vst.idx.add.s32.msk vm9, v6  }
0xa7: {  	v7 =	vld [tilespmem:s0+$0x0];
	_ =	sdelay $0x4  }
0xa8: {  	(v2sf) =	vpush v7, $0x3  }
0xa9: {  	(v2sf) =	vpush v7, $0x2;
	_ =	sdelay $0x2  }
0xaa: {  	(v2sf) =	vpush v7, $0x0  }
0xab: {  	(v2sf) =	vpush v7, $0x7;
	_ =	sdelay $0x1  }
0xac: {  	(v2sf) =	vpush v7, $0x4  }
0xad: {  	(v2sf) =	vpush v7, $0xC  }
0xae: {  	s16 =	spop (v2sf);
	(v2sf) =	vpush v7, $0x1  }
0xaf: {  	(v2sf) =	vpush v7, $0x8  }
0xb0: {  	(v2sf) =	vpush v7, $0x9;
	_ =	sdelay $0x3  }
0xb1: {  	s1 =	spop (v2sf)  }
0xb2: {  	s17 =	spop (v2sf);
	s8 =	sshra.s32 s1, $0x1F;
	s1 =	smulhi.u32 $0x66666667, s1  }
0xb3: {  	(v2sf) =	vpush v7, $0xD;
	s2 =	smulhi.u32 $0x66666667, s17  }
0xb4: {  	[dreg:$0x7] =	wrdreg s0;
	s0 =	sshra.s32 s17, $0x1F;
	s8 =	smul.u32 $0x66666667, s8  }
0xb5: {  	(v2sf) =	vpush v7, $0x5;
	s5 =	spop (v2sf);
	s0 =	smul.u32 $0x66666667, s0  }
0xb6: {  	s7 =	spop (v2sf);
	s10 =	sshra.s32 s5, $0x1F;
	s5 =	smulhi.u32 $0x66666667, s5  }
0xb7: {  	p0 =	sne.s32 s20, $0x1F00;
	s22 =	sadd.s32 s13, s16;
	s18 =	smulhi.u32 $0x66666667, s7  }
0xb8: {  	(v2sf) =	vpush v7, $0xE;
	s9 =	sshra.s32 s7, $0x1F;
	s24 =	spop (v2sf);
	s10 =	smul.u32 $0x66666667, s10  }
0xb9: {  	s1 =	sadd.s32 s8, s1;
	s12 =	sshra.s32 s24, $0x1F;
	s19 =	spop (v2sf);
	(v2sf) =	vpush v7, $0xF  }
0xba: {  	s9 =	smul.u32 $0x66666667, s9;
	s23 =	sadd.s32 s0, s2;
	s14 =	spop (v2sf);
	(v2sf) =	vpush v7, $0x6  }
0xbb: {  	s8 =	sshrl.u32 s1, $0x1F;
	s25 =	smul.u32 $0x66666667, s12;
	s28 =	spop (v2sf);
	(v2sf) =	vpush v7, $0xA  }
0xbc: {  	s26 =	sshra.s32 s19, $0x1F;
	s2 =	smulhi.u32 $0x66666667, s19;
	s12 =	spop (v2sf);
	(v2sf) =	vpush v7, $0xB  }
0xbd: {  	s0 =	sshra.s32 s23, $0x1F;
	s10 =	sadd.s32 s10, s5;
	s15 =	smulhi.u32 $0x66666667, s14  }
0xbe: {  	s21 =	sadd.s32 s9, s18;
	s16 =	sshra.s32 s14, $0x1F;
	s26 =	smul.u32 $0x66666667, s26  }
0xbf: {  	s9 =	sshra.s32 s1, $0x7;
	s5 =	sshra.s32 s10, $0x1F;
	s19 =	sshra.s32 s10, $0x7  }
0xc0: {  	s10 =	sshrl.u32 s10, $0x1F;
	s3 =	sshra.s32 s28, $0x1F;
	s4 =	smul.u32 $0x66666667, s16  }
0xc1: {  	s16 =	sshra.s32 s21, $0x1F;
	s28 =	smulhi.u32 $0x66666667, s28;
	[dreg:$0x8] =	wrdreg s3  }
0xc2: {  	s31 =	spop (v2sf);
	s17 =	sshra.s32 s12, $0x1F;
	s12 =	smulhi.u32 $0x66666667, s12  }
0xc3: {  	s2 =	sadd.s32 s26, s2;
	s30 =	sshra.s32 s31, $0x1F;
	s31 =	smulhi.u32 $0x66666667, s31  }
0xc4: {  	s6 =	spop (v2sf);
	s7 =	sadd.s32 s4, s15;
	s15 =	smul.u32 $0x66666667, s17  }
0xc5: {  	s18 =	sshrl.u32 s2, $0x1F;
	s2 =	sshra.s32 s2, $0x7;
	s3 =	smulhi.u32 $0x66666667, s6  }
0xc6: {  	s11 =	sshra.s32 s6, $0x1F;
	s13 =	sshra.s32 s7, $0x7;
	s30 =	smul.u32 $0x66666667, s30  }
0xc7: {  	s6 =	sshra.s32 s1, $0x1F;
	s1 =	smul.u32 $0x66666667, s11;
	s26 =	spop (v2sf)  }
0xc8: {  	v9 =	vmov s16;
	v8 =	vmov s18;
	s29 =	sshra.s32 s26, $0x1F;
	s26 =	smulhi.u32 $0x66666667, s26;
	s18 =	spop (v2sf)  }
0xc9: {  	v9 =	vsel vm3, s19, v9;
	v10 =	vmov s2;
	s11 =	sshra.s32 s18, $0x1F;
	s2 =	spop (v2sf);
	s16 =	smulhi.u32 $0x66666667, s18  }
0xca: {  	v9 =	vsel vm11, s5, v9;
	s17 =	sshra.s32 s2, $0x1F;
	s19 =	spop (v2sf);
	s2 =	smulhi.u32 $0x66666667, s2  }
0xcb: {  	v9 =	vsel vm0, s13, v9;
	s12 =	sadd.s32 s15, s12;
	s15 =	smul.u32 $0x66666667, s11;
	s13 =	spop (v2sf)  }
0xcc: {  	s4 =	sshra.s32 s7, $0x1F;
	s1 =	sadd.s32 s1, s3;
	s3 =	smulhi.u32 $0x66666667, s13  }
0xcd: {  	s14 =	sshra.s32 s23, $0x7;
	v11 =	vmov s10;
	v9 =	vsel vm14, s4, v9;
	s4 =	sshra.s32 s13, $0x1F;
	s13 =	smulhi.u32 $0x66666667, s19  }
0xce: {  	v11 =	vnsel vm3, $0x0, v11;
	s7 =	sshrl.u32 s7, $0x1F;
	s18 =	sshra.s32 s19, $0x1F;
	s19 =	smulhi.u32 $0x66666667, s24  }
0xcf: {  	s23 =	sshrl.u32 s23, $0x1F;
	v11 =	vsel vm0, s7, v11;
	s5 =	sshrl.u32 s12, $0x1F;
	v9 =	vsel vm1, s14, v9;
	s24 =	smul.u32 $0x66666667, s18  }
0xd0: {  	s10 =	sshra.s32 s12, $0x7;
	v11 =	vsel vm1, s23, v11;
	s23 =	rddreg [dreg:$0x8];
	v9 =	vsel vm15, s0, v9;
	s18 =	smul.u32 $0x66666667, s17  }
0xd1: {  	v9 =	vsel vm2, s9, v9;
	s9 =	sadd.s32 s30, s31;
	s0 =	sadd.s32 s15, s16;
	s16 =	smul.u32 $0x66666667, s23  }
0xd2: {  	v9 =	vsel vm12, s6, v9;
	s6 =	sshra.s32 s1, $0x7;
	s31 =	sshrl.u32 s9, $0x1F;
	s4 =	smul.u32 $0x66666667, s4  }
0xd3: {  	s25 =	sadd.s32 s25, s19;
	s12 =	sadd.s32 s24, s13;
	s28 =	sadd.s32 s16, s28  }
0xd4: {  	vm9 =	vcmask $0x2F2C;
	v11 =	vsel vm2, s8, v11;
	s8 =	sshrl.u32 s25, $0x1F;
	s19 =	sshra.s32 s25, $0x1F;
	s24 =	sshra.s32 s25, $0x7  }
0xd5: {  	v8 =	vsel vm0, s31, v8;
	s25 =	smul.u32 $0x66666667, s29;
	s30 =	sshra.s32 s28, $0x7;
	s23 =	sshrl.u32 s28, $0x1F;
	v9 =	vsel vm4, s24, v9;
	v11 =	vsel vm4, s8, v11  }
0xd6: {  	s11 =	sshrl.u32 s1, $0x1F;
	s2 =	sadd.s32 s18, s2;
	v12 =	vmov s30;
	s24 =	sshra.s32 s9, $0x7;
	v13 =	vmov s23;
	v9 =	vsel vm13, s19, v9  }
0xd7: {  	s3 =	sadd.s32 s4, s3;
	s4 =	sadd.s32 s25, s26;
	v11 =	vsel vm5, s11, v11;
	v12 =	vsel vm0, s10, v12;
	s25 =	sshrl.u32 s2, $0x1F;
	v10 =	vsel vm0, s24, v10  }
0xd8: {  	s1 =	sshra.s32 s1, $0x1F;
	s18 =	sshrl.u32 s12, $0x1F;
	v13 =	vsel vm0, s5, v13;
	s26 =	sshra.s32 s12, $0x7;
	v9 =	vsel vm5, s6, v9;
	v11 =	vsel vm6, s25, v11  }
0xd9: {  	s28 =	sshra.s32 s3, $0x7;
	s19 =	sshrl.u32 s4, $0x1F;
	s4 =	sshra.s32 s4, $0x7;
	v12 =	vsel vm1, s26, v12;
	v13 =	vsel vm1, s18, v13;
	v9 =	vsel vm9, s1, v9  }
0xda: {  	s14 =	sshrl.u32 s0, $0x1F;
	s0 =	sshra.s32 s0, $0x7;
	s16 =	sshrl.u32 s3, $0x1F;
	v8 =	vsel vm1, s19, v8;
	v10 =	vsel vm1, s4, v10;
	v12 =	vsel vm2, s28, v12  }
.Ltmp6:
0xdb: {  	s29 =	sshra.s32 s2, $0x7;
	v13 =	vsel vm2, s16, v13;
	vm9 =	vcmask $0x3734;
	v10 =	vsel vm2, s0, v10;
	(pc) =	sbr.rel @p0 .LBB2_7-.Ltmp6, $4  }
0xdc: {  	s30 =	sshrl.u32 s21, $0x1F;
	v8 =	vsel vm2, s14, v8;
	v9 =	vsel vm6, s29, v9;
	s29 =	sshra.s32 s2, $0x1F;
	v10 =	vcombine.low v12, v10  }
0xdd: {  	s31 =	sshra.s32 s21, $0x7;
	v9 =	vsel vm9, s29, v9;
	v63 =	vcombine.low v13, v8;
	v8 =	vsel vm7, s30, v11  }
0xde: {  	s20 =	sadd.s32 $0x40, s20;
	v11 =	vsel vm7, s31, v9;
	v8 =	vperm.xlane v8, v5;
	v9 =	vperm.xlane v10, v3  }
0xdf: {  	s13 =	smov.u32 s22;
	s3 =	rddreg [dreg:$0x7];
	s11 =	simm.s32 $0x2100;
	v10 =	vperm.xlane v63, v3;
	v11 =	vperm.xlane v11, v5  }
0xe0: {  	_ = 	snop  }
0xe1: {  	v8 =	vsel vm8, v8, v10;
	v9 =	vsel vm8, v11, v9  }
0xe2: {  	v8 =	vadd.s32 v8, v9  }
0xe3: {  	v9 =	vmul.u32 $0xFFFFFEC0, v8  }
0xe4: {  	v61 =	vsub.s32 $0x0, v7  }
0xe5: {  	vm9 =	vlt.s32 v7, $0x1;
	vm10 =	vne.s32 v9, v61  }
0xe6: {  	vm9 =	vmand vm9, vm10  }
0xe7: {  	v62 =	vsel vm9, $0xFFFFFFFF, v2  }
0xe8: {  	v8 =	vadd.s32 v62, v8  }
0xe9: {  	vm9 =	veq.s32 v8, v0  }
0xea: {  	v8 =	vmpcnt.ones.xlane vm9;
	_ =	sdelay $0x1  }
0xeb: {  	(v2sf) =	vpush v8, $0x0;
	_ =	sdelay $0xe  }
0xec: {  	s0 =	spop (v2sf)  }
0xed: {  	s21 =	sadd.s32 s13, s0  }
0xee: {  	s0 =	sand.u32 $0x3F, s21  }
0xef: {  	s1 =	sshra.s32 s21, $0x1F;
	p0 =	slt.s32 s21, $0x1;
	p1 =	sne.s32 s0, $0x0  }
0xf0: {  	s31 =	sshrl.u32 s1, $0x1A;
	p2 =	por !p0, !p1  }
0xf1: {  	s1 =	simm.s32 $0x1;
	s0 =	sadd.s32 s31, s21;
	p2 =	por !p2, !p2  }
0xf2: {  	v7 =	vadd.s32 v1, v7;
	v8 =	vld [tilespmem:s3+$0x800];
	s19 =	sshra.s32 s0, $0x6;
	s1 =	simm.s32 @!p2 $0x0  }
0xf3: {  	v63 =	vshll.u32 v7, $0x4;
	s20 =	ssub.s32 s19, s1  }
0xf4: {  	v9 =	vor.u32 v4, v63;
	p2 =	slt.s32 s20, $0x1  }
.Ltmp7:
0xf5: {  	_ = 	snop;
	(pc) =	sbr.rel @p2 .LBB2_15-.Ltmp7, $4  }
0xf6: {  	_ = 	snop  }
0xf7: {  	[tilespmem:s13+$0x1000] =	vst.msk vm9, v8  }
0xf8: {  	vm13 =	vmmov vm15;
	s9 =	rddreg [dreg:$0xf];
	[tilespmem:s13+$0x1880] =	vst.msk vm9, v7  }
0xf9: {  	vm12 =	vmmov vm14;
	s4 =	simm.s32 $0x0;
	s6 =	simm.s32 $0x1;
	vm14 =	vcmask $0x2F2C;
	vm15 =	vcmask $0x3734;
	s3 =	rddreg [dreg:$0x3];
	[tilespmem:v9+s11+$0x0] =	vst.idx.add.s32.msk vm9, v6  }
0xfa: {  	p3 =	sne.s32 s20, $0x1  }
.Ltmp8:
0xfb: {  	_ = 	snop;
	(pc) =	sbr.rel @!p3 .LBB2_10-.Ltmp8, $4  }
0xfc: {  	_ = 	snop  }
0xfd: {  	s0 =	rddreg [dreg:$0xc];
	s5 =	simm.s32 $0x1880  }
0xfe: {  	s14 =	sadd.s32 $0xFFFFFFFF, s20;
	p2 =	por $0x0, $0x0;
	s8 =	sadd.s32 s9, s0  }
0xff: {  	s2 =	rddreg [dreg:$0x2];
	s0 =	simm.s32 $0x1000;
	s7 =	sshrl.u32 s8, $0x3  }
0x100: {  	s1 =	sadd.s32 s2, s7  }
0x101: {  	[hbm4b:s1+s4] =	stream.linear.scatter [tilespmem:s0], [sflag:$0x1], $0x40, $0x38;
	[tilespmem:$0x3580] =	vst v63  }
0x102: {  	p3 =	sne.s32 s14, $0x1;
	_ =	swait.ge [sflag:s6], $0x40  }
.Ltmp9:
0x103: {  	s31 =	sadd.s32 s3, s7;
	[sflag:s6] =	ssyncset.done $0x0;
	(pc) =	sbr.rel @!p3 .LBB2_12-.Ltmp9, $4  }
0x104: {  	s8 =	sadd.s32 $0x40, s8;
	s18 =	sadd.s32 $0xFFFFFFFF, s14;
	[sflag:s6] =	ssyncadd.s32 $0xFFFFFFC0  }
0x105: {  	[hbm4b:s31+s4] =	stream.linear.scatter [tilespmem:s5], [sflag:$0x1], $0x40, $0x38;
	[tilespmem:$0x3580] =	vst v63  }
0x106: {  	p2 =	por $0x1, $0x1;
	s14 =	simm.s32 $0x1000;
	_ =	swait.ge [sflag:s6], $0x40  }
0x107: {  	s7 =	sshrl.u32 s8, $0x3;
	s5 =	simm.s32 $0x18C0;
	[sflag:s6] =	ssyncset.done $0x0  }
.LBB2_13:
0x108: {  	s1 =	sadd.s32 s2, s7;
	[sflag:s6] =	ssyncadd.s32 $0xFFFFFFC0;
	s14 =	sadd.s32 $0x40, s14  }
0x109: {  	[hbm4b:s1+s4] =	stream.linear.scatter [tilespmem:s14], [sflag:$0x1], $0x40, $0x38;
	[tilespmem:$0x3580] =	vst v63  }
0x10a: {  	p3 =	sne.s32 s18, $0x1;
	s18 =	sadd.s32 $0xFFFFFFFF, s18;
	_ =	swait.ge [sflag:s6], $0x40  }
.Ltmp10:
0x10b: {  	[sflag:s6] =	ssyncset.done $0x0;
	(pc) =	sbr.rel @p3 .LBB2_13-.Ltmp10, $4  }
0x10c: {  	s1 =	sadd.s32 s3, s7;
	[sflag:s6] =	ssyncadd.s32 $0xFFFFFFC0  }
0x10d: {  	[hbm4b:s1+s4] =	stream.linear.scatter [tilespmem:s5], [sflag:$0x1], $0x40, $0x38;
	[tilespmem:$0x3580] =	vst v63  }
0x10e: {  	s8 =	sadd.s32 $0x40, s8;
	_ =	swait.ge [sflag:s6], $0x40  }
0x10f: {  	s7 =	sshrl.u32 s8, $0x3;
	s5 =	sadd.s32 $0x40, s5;
	[sflag:s6] =	ssyncset.done $0x0  }
.Ltmp11:
0x110: {  	_ = 	snop;
	(pc) =	sbr.rel .LBB2_14-.Ltmp11, $1  }
0x111: {  	_ =	sdelay $0x3  }
.LBB2_12:
.Ltmp12:
0x112: {  	(pc) =	sbr.rel .LBB2_14-.Ltmp12, $2  }
0x113: {  	_ =	sdelay $0x2  }
0x114: {  	s14 =	simm.s32 $0x1000  }
.LBB2_16:
0x115: {  	s0 =	sadd.s32 $0x3F, s13  }
0x116: {  	s1 =	sand.u32 $0x3F, s0  }
0x117: {  	s2 =	sshra.s32 s0, $0x1F;
	p2 =	slt.s32 s0, $0x1;
	p3 =	sne.s32 s1, $0x0  }
0x118: {  	s31 =	sshrl.u32 s2, $0x1A;
	p2 =	por !p2, !p3  }
0x119: {  	s1 =	simm.s32 $0x1;
	s0 =	sadd.s32 s31, s0;
	p2 =	por !p2, !p2  }
0x11a: {  	s0 =	sshra.s32 s0, $0x6;
	s1 =	simm.s32 @!p2 $0x0  }
0x11b: {  	s7 =	ssub.s32 s0, s1  }
0x11c: {  	p2 =	slt.s32 s7, $0x1  }
.Ltmp13:
0x11d: {  	_ = 	snop;
	(pc) =	sbr.rel @p2 .LBB2_23-.Ltmp13, $2  }
0x11e: {  	_ =	sdelay $0x2  }
0x11f: {  	s2 =	rddreg [dreg:$0xd]  }
0x120: {  	p0 =	por !p1, !p0  }
0x121: {  	s0 =	simm.s32 $0x1;
	p1 =	sne.s32 s7, $0x1;
	p0 =	por !p0, !p0  }
.Ltmp14:
0x122: {  	s0 =	simm.s32 @!p0 $0x0;
	(pc) =	sbr.rel @!p1 .LBB2_18-.Ltmp14, $4  }
0x123: {  	s1 =	rddreg [dreg:$0xc];
	s0 =	ssub.s32 s19, s0  }
0x124: {  	s5 =	simm.s32 $0x1880;
	s1 =	sadd.s32 s9, s1;
	s0 =	sshll.u32 s0, $0x6  }
0x125: {  	s14 =	sadd.s32 $0xFFFFFFFF, s7;
	s2 =	rddreg [dreg:$0x2];
	s8 =	sadd.s32 s0, s1  }
0x126: {  	p0 =	por $0x0, $0x0;
	s0 =	simm.s32 $0x1000;
	s7 =	sshrl.u32 s8, $0x3  }
0x127: {  	s1 =	sadd.s32 s2, s7  }
0x128: {  	[hbm4b:s1+s4] =	stream.linear.scatter [tilespmem:s0], [sflag:$0x1], $0x40, $0x38;
	[tilespmem:$0x3580] =	vst v63  }
0x129: {  	p1 =	sne.s32 s14, $0x1;
	_ =	swait.ge [sflag:s6], $0x40  }
.Ltmp15:
0x12a: {  	s31 =	sadd.s32 s3, s7;
	[sflag:s6] =	ssyncset.done $0x0;
	(pc) =	sbr.rel @!p1 .LBB2_20-.Ltmp15, $4  }
0x12b: {  	s8 =	sadd.s32 $0x40, s8;
	s16 =	sadd.s32 $0xFFFFFFFF, s14;
	[sflag:s6] =	ssyncadd.s32 $0xFFFFFFC0  }
0x12c: {  	[hbm4b:s31+s4] =	stream.linear.scatter [tilespmem:s5], [sflag:$0x1], $0x40, $0x38;
	[tilespmem:$0x3580] =	vst v63  }
0x12d: {  	p0 =	por $0x1, $0x1;
	s14 =	simm.s32 $0x1000;
	_ =	swait.ge [sflag:s6], $0x40  }
0x12e: {  	s7 =	sshrl.u32 s8, $0x3;
	s5 =	simm.s32 $0x18C0;
	[sflag:s6] =	ssyncset.done $0x0  }
.LBB2_21:
0x12f: {  	s1 =	sadd.s32 s2, s7;
	[sflag:s6] =	ssyncadd.s32 $0xFFFFFFC0;
	s14 =	sadd.s32 $0x40, s14  }
0x130: {  	[hbm4b:s1+s4] =	stream.linear.scatter [tilespmem:s14], [sflag:$0x1], $0x40, $0x38;
	[tilespmem:$0x3580] =	vst v63  }
0x131: {  	p1 =	sne.s32 s16, $0x1;
	s16 =	sadd.s32 $0xFFFFFFFF, s16;
	_ =	swait.ge [sflag:s6], $0x40  }
.Ltmp16:
0x132: {  	[sflag:s6] =	ssyncset.done $0x0;
	(pc) =	sbr.rel @p1 .LBB2_21-.Ltmp16, $4  }
0x133: {  	s1 =	sadd.s32 s3, s7;
	[sflag:s6] =	ssyncadd.s32 $0xFFFFFFC0  }
0x134: {  	[hbm4b:s1+s4] =	stream.linear.scatter [tilespmem:s5], [sflag:$0x1], $0x40, $0x38;
	[tilespmem:$0x3580] =	vst v63  }
0x135: {  	s8 =	sadd.s32 $0x40, s8;
	_ =	swait.ge [sflag:s6], $0x40  }
0x136: {  	s7 =	sshrl.u32 s8, $0x3;
	s5 =	sadd.s32 $0x40, s5;
	[sflag:s6] =	ssyncset.done $0x0  }
.Ltmp17:
0x137: {  	_ = 	snop;
	(pc) =	sbr.rel .LBB2_22-.Ltmp17, $1  }
0x138: {  	_ =	sdelay $0x3  }
.LBB2_20:
.Ltmp18:
0x139: {  	(pc) =	sbr.rel .LBB2_22-.Ltmp18, $2  }
0x13a: {  	_ =	sdelay $0x2  }
0x13b: {  	s14 =	simm.s32 $0x1000  }
.LBB2_24:
0x13c: {  	_ =	sfence.sel $0x180000  }
0x13d: {  	[bflag:$0x0] =	sbarrier.arrive $0xFFFF  }
0x13e: {  	_ =	strace $0x90000047  }
0x13f: {  	s0 =	stileid.u32;
	[bflag:$0x2] =	sbarrier.arrive $0xFFFF  }
0x140: {  	p0 =	sne.s32 s0, $0x0;
	s0 =	rddreg [dreg:$0x6]  }
0x141: {  	s0 =	sadd.s32 @!p0 $0x100000, s0  }
0x142: {  	[sflag:s0] =	ssyncadd.tile.s32 @!p0 $0x1;
	_ =	shalt  }
.Lfunc_end2:
_tile_overlayer_lowered:
.L_overlay_start_2:
0x143: {  	(tag) =	ssettag $0x2  }
0x144: {  	s0 =	rddreg [dreg:$0x0];
	s2 =	stileid.u32  }
0x145: {  	s1 =	rddreg [dreg:$0x1];
	p0 =	sne.s32 s2, $0x0  }
0x146: {  	s3 =	rddreg [dreg:$0x2];
	[bflag:$0x3] =	sbarrier.arrive $0xFFFF;
	s2 =	simm.s32 @!p0 $0x1C01  }
0x147: {  	[timem:s3], [sflag:s2] =	dma.local @!p0 [hbm:s0], s1  }
0x148: {  	s0 =	simm.s32 @!p0 $0x1  }
0x149: {  	_ =	swait.ge @!p0 [sflag:s0], s1  }
0x14a: {  	s1 =	ssub.s32 @!p0 $0x0, s1;
	[sflag:s0] =	ssyncset.done @!p0 $0x0  }
0x14b: {  	[sflag:s0] =	ssyncadd.s32 @!p0 s1  }
0x14c: {  	[bflag:$0x3] =	sbarrier.arrive $0xFFFF  }
0x14d: {  	_ =	shalt  }

</sc_bundles>
